<compile_context>
chip_gen: v7x
topology: tpu7x:2x2x1
jax: 0.10.2.dev20260603
libtpu: 0.0.44.dev20260713+nightly
codegen_flags: <defaults>
</compile_context>

<pallas_src>
import jax
import jax.numpy as jnp
from jax import lax
from jax.experimental import pallas as pl
from jax.experimental.pallas import tpu as pltpu
from jax.experimental.pallas import tpu_sc as plsc

NUM_CLASSES = 80
DIM = 256
N_TOKENS = 131072

NC = 2
NS = 16
L = 16
NW = NC * NS

TOK_PER_W = N_TOKENS // NW
GROUPS = TOK_PER_W // L
MAXB = GROUPS + 1

TC_BLK = 8192
TC_GRID = N_TOKENS // TC_BLK
PADC = 128


def _tc_expand(labels3, table_pad):
    def body(lab_ref, tab_ref, out_ref):
        lab = lab_ref[0, 0, :]
        onehot = (lab[:, None] == lax.broadcasted_iota(
            jnp.int32, (TC_BLK, PADC), 1)).astype(jnp.float32)
        out_ref[...] = jnp.dot(onehot, tab_ref[...],
                               preferred_element_type=jnp.float32)

    return pl.pallas_call(
        body,
        grid=(TC_GRID,),
        in_specs=[
            pl.BlockSpec((1, 1, TC_BLK), lambda i: (i, 0, 0)),
            pl.BlockSpec((PADC, DIM), lambda i: (0, 0)),
        ],
        out_specs=pl.BlockSpec((TC_BLK, DIM), lambda i: (i, 0)),
        out_shape=jax.ShapeDtypeStruct((N_TOKENS, DIM), jnp.float32),
        compiler_params=pltpu.CompilerParams(
            dimension_semantics=("arbitrary",)),
    )(labels3, table_pad)


def _sc_scan(labels3, pointer):
    mesh = plsc.VectorSubcoreMesh(core_axis_name="c", subcore_axis_name="s")

    @pl.kernel(
        out_type=(
            jax.ShapeDtypeStruct((NW, MAXB, L), jnp.int32),
            jax.ShapeDtypeStruct((NW, L), jnp.int32),
        ),
        mesh=mesh,
        compiler_params=pltpu.CompilerParams(needs_layout_passes=False),
        scratch_types=[
            pltpu.VMEM((GROUPS, L), jnp.int32),
            pltpu.VMEM((NUM_CLASSES,), jnp.int32),
            pltpu.VMEM((TOK_PER_W + L,), jnp.int32),
            pltpu.VMEM((MAXB, L), jnp.int32),
            pltpu.VMEM((L,), jnp.int32),
        ],
    )
    def body(labels_hbm, ptr_hbm, idx_out, nb_out,
             lab_v, ptr_v, idx_flat, idx2d, nb_v):
        wid = lax.axis_index("s") * NC + lax.axis_index("c")
        pltpu.sync_copy(labels_hbm.at[wid], lab_v)
        pltpu.sync_copy(ptr_hbm, ptr_v)
        base = wid * TOK_PER_W
        iota = lax.iota(jnp.int32, L)

        def scan_body(q, n):
            invs, gidxs, cnts = [], [], []
            for j in range(4):
                g = q * 4 + j
                inv = plsc.load_gather(ptr_v, [lab_v[g, :]]) == 0
                invs.append(inv)
                gidxs.append(jnp.full((L,), base + g * L, jnp.int32) + iota)
                cnts.append(jnp.sum(inv.astype(jnp.int32)))
            off = n
            for j in range(4):
                plsc.store_compressed(
                    idx_flat.at[pl.ds(off, L)], gidxs[j], mask=invs[j])
                off = off + cnts[j]
            return off

        n = lax.fori_loop(0, GROUPS // 4, scan_body, 0)
        nb = (n + (L - 1)) >> 4
        nb_v[...] = jnp.full((L,), nb, jnp.int32)
        pltpu.sync_copy(nb_v, nb_out.at[wid])

        @pl.when(n > 0)
        def _emit():
            dup0 = plsc.load_gather(idx_flat, [jnp.zeros((L,), jnp.int32)])
            idx_flat[pl.ds(n, L)] = dup0

            def copy_body(r, _):
                idx2d[r, :] = idx_flat[pl.ds(r * L, L)]
                return 0

            lax.fori_loop(0, nb, copy_body, 0)
            pltpu.sync_copy(idx2d, idx_out.at[wid])

    return body(labels3, pointer)


def _sc_apply(out_ref_arg, tokens, idx_out, nb_out):
    mesh = plsc.VectorSubcoreMesh(core_axis_name="c", subcore_axis_name="s")

    @pl.kernel(
        out_type=(),
        mesh=mesh,
        compiler_params=pltpu.CompilerParams(needs_layout_passes=False),
        scratch_types=[
            pltpu.VMEM((MAXB, L), jnp.int32),
            pltpu.VMEM((L,), jnp.int32),
            pltpu.VMEM((2, L, DIM), jnp.float32),
            pltpu.SemaphoreType.DMA((2,)),
            pltpu.SemaphoreType.DMA((2,)),
        ],
    )
    def body(out_hbm, tokens_hbm, idx_hbm, nb_hbm,
             idx2d, nb_v, tok_v, gsem, ssem):
        wid = lax.axis_index("s") * NC + lax.axis_index("c")
        pltpu.sync_copy(nb_hbm.at[wid], nb_v)
        nb = jnp.max(nb_v[...])

        @pl.when(nb > 0)
        def _apply():
            pltpu.sync_copy(idx_hbm.at[wid], idx2d)

            def batch_body(b, _):
                s = b % 2

                @pl.when(b >= 2)
                def _reclaim():
                    pltpu.make_async_copy(
                        tok_v.at[s], out_hbm.at[idx2d.at[b]],
                        ssem.at[s]).wait()

                pltpu.make_async_copy(
                    tokens_hbm.at[idx2d.at[b]], tok_v.at[s],
                    gsem.at[s]).start()

                @pl.when(b >= 1)
                def _retire():
                    sp = (b - 1) % 2
                    pltpu.make_async_copy(
                        tokens_hbm.at[idx2d.at[b - 1]], tok_v.at[sp],
                        gsem.at[sp]).wait()
                    pltpu.make_async_copy(
                        tok_v.at[sp], out_hbm.at[idx2d.at[b - 1]],
                        ssem.at[sp]).start()
                return 0

            lax.fori_loop(0, nb, batch_body, 0)

            sl = (nb - 1) % 2
            pltpu.make_async_copy(
                tokens_hbm.at[idx2d.at[nb - 1]], tok_v.at[sl],
                gsem.at[sl]).wait()
            pltpu.make_async_copy(
                tok_v.at[sl], out_hbm.at[idx2d.at[nb - 1]],
                ssem.at[sl]).start()
            for s in range(2):
                @pl.when(nb > s)
                def _drain(s=s):
                    pltpu.make_async_copy(
                        tok_v.at[s], out_hbm.at[idx2d.at[0]],
                        ssem.at[s]).wait()

    body(out_ref_arg, tokens, idx_out, nb_out)


def kernel(tokens, token_labels, buffer, pointer):
    labels = token_labels.astype(jnp.int32)
    table_pad = jnp.zeros((PADC, DIM), jnp.float32).at[:NUM_CLASSES].set(
        buffer[:, 0, :])
    idx_out, nb_out = _sc_scan(labels.reshape(NW, GROUPS, L),
                               pointer.astype(jnp.int32))
    dense = _tc_expand(labels.reshape(TC_GRID, 1, TC_BLK), table_pad)
    out_ref = jax.new_ref(dense)
    _sc_apply(out_ref, tokens, idx_out, nb_out)
    return jax.freeze(out_ref)

# --- scband reference (transcript-rebuilt; emitter-appended) ---
"""Pipeline reference for scband-token-mixer-15788299780170 (READ-ONLY COPY).

The authoritative reference and input builder live on the scoring server;
editing this copy changes nothing except your own understanding.
"""

import jax, jax.numpy as jnp
import numpy as np

NUM_CLASSES = 80
DIM = 256
BUFFER_SIZE = 128
N_TOKENS = 131072


def setup_inputs(seed: int = 0) -> dict:
    key = jax.random.key(seed)
    k1, k2, k3, k4 = jax.random.split(key, 4)
    tokens = jax.random.normal(k1, (N_TOKENS, DIM), dtype=jnp.float32)
    token_labels = jax.random.randint(k2, (N_TOKENS,), 0, NUM_CLASSES, dtype=jnp.int64 if jax.config.jax_enable_x64 else jnp.int32)
    # module state (non-learned parameters / buffers)
    buffer = jax.random.normal(k3, (NUM_CLASSES, BUFFER_SIZE, DIM), dtype=jnp.float32)
    # per-class fill pointer; 0 means the class buffer is empty (invalid)
    pointer = jax.random.randint(k4, (NUM_CLASSES,), 0, BUFFER_SIZE, dtype=jnp.int32)
    return {"tokens": tokens, "token_labels": token_labels, "buffer": buffer, "pointer": pointer}


def reference(tokens, token_labels, buffer, pointer):
    # TokenMixer.mix_tokens:
    #   counts = pointer[token_labels]
    #   invalid = where(counts == 0)
    #   tokens2mix = buffer[token_labels, 0, :]
    #   mixed = tokens2mix; mixed[invalid] = tokens[invalid]
    # (the beta-sampled lam is computed in the original code but never used in the output)
    counts = jnp.take(pointer, token_labels, axis=0)
    invalid = (counts == 0)
    tokens2mix = buffer[token_labels, 0, :]
    mixed_tokens = jnp.where(invalid[:, None], tokens, tokens2mix)
    return mixed_tokens

if __name__ == "__main__":
    import jax
    _d = setup_inputs()
    print(jax.jit(kernel)(*tuple(_d.values())))

</pallas_src>

<mosaic_0001>
#map = affine_map<(d0, d1) -> (0, 0)>
#map1 = affine_map<(d0, d1) -> (0, 0, 0)>
module attributes {stable_mosaic.version = 14 : i64} {
  func.func @new_body(%arg0: i32, %arg1: i32, %arg2: memref<131072x256xf32, #tpu.memory_space<hbm>>, %arg3: memref<131072x256xf32, #tpu.memory_space<hbm>>, %arg4: memref<32x257x16xi32, #tpu.memory_space<hbm>>, %arg5: memref<32x16xi32, #tpu.memory_space<hbm>>, %arg6: memref<131072x256xf32, #tpu.memory_space<hbm>>, %arg7: memref<257x16xi32, #tpu.memory_space<vmem>>, %arg8: memref<16xi32, #tpu.memory_space<vmem>>, %arg9: memref<2x16x256xf32, #tpu.memory_space<vmem>>, %arg10: memref<2x!tpu.dma_semaphore, #tpu.memory_space<semaphore_mem>>, %arg11: memref<2x!tpu.dma_semaphore, #tpu.memory_space<semaphore_mem>>) attributes {dimension_semantics = [#tpu.dimension_semantics<core_parallel>, #tpu.dimension_semantics<subcore_parallel>], iteration_bounds = array<i64: 2, 16>, scalar_prefetch = 0 : i64, scratch_operands = 5 : i64, tpu.core_type = #tpu.core_type<sc_vector_subcore>, window_params = [{transform_indices = #map}, {transform_indices = #map}, {transform_indices = #map1}, {transform_indices = #map}, {transform_indices = #map}]} {
    %mul3A = arith.constant 2 : i32
    %mul3A_0 = arith.muli %arg1, %mul3A : i32
    %add3A = arith.addi %mul3A_0, %arg0 : i32
    "tpu.region"() ({
      %run_scoped3A = tpu.sem_alloc : memref<!tpu.dma_semaphore, #tpu.memory_space<semaphore_mem>>
      %dma_start3A = arith.constant 0 : i32
      %dma_start3A_11 = tpu.memref_slice %arg5[%add3A, %dma_start3A] : memref<32x16xi32, #tpu.memory_space<hbm>> -> memref<1x16xi32, #tpu.memory_space<hbm>>
      %dma_start3A_12 = tpu.memref_squeeze %dma_start3A_11 : memref<1x16xi32, #tpu.memory_space<hbm>> -> memref<16xi32, #tpu.memory_space<hbm>>
      %dma_start3A_13 = arith.constant 0 : i32
      %dma_start3A_14 = tpu.memref_slice %arg5[%add3A, %dma_start3A_13] : memref<32x16xi32, #tpu.memory_space<hbm>> -> memref<1x16xi32, #tpu.memory_space<hbm>>
      %dma_start3A_15 = tpu.memref_squeeze %dma_start3A_14 : memref<1x16xi32, #tpu.memory_space<hbm>> -> memref<16xi32, #tpu.memory_space<hbm>>
      tpu.enqueue_dma source(%dma_start3A_15 : memref<16xi32, #tpu.memory_space<hbm>>) target(%arg8 : memref<16xi32, #tpu.memory_space<vmem>>) target_semaphore(%run_scoped3A : memref<!tpu.dma_semaphore, #tpu.memory_space<semaphore_mem>>)
      %dma_wait3A = arith.constant 0 : i32
      %dma_wait3A_16 = tpu.memref_slice %arg5[%add3A, %dma_wait3A] : memref<32x16xi32, #tpu.memory_space<hbm>> -> memref<1x16xi32, #tpu.memory_space<hbm>>
      %dma_wait3A_17 = tpu.memref_squeeze %dma_wait3A_16 : memref<1x16xi32, #tpu.memory_space<hbm>> -> memref<16xi32, #tpu.memory_space<hbm>>
      %dma_wait3A_18 = arith.constant 0 : i32
      %dma_wait3A_19 = tpu.memref_slice %arg5[%add3A, %dma_wait3A_18] : memref<32x16xi32, #tpu.memory_space<hbm>> -> memref<1x16xi32, #tpu.memory_space<hbm>>
      %dma_wait3A_20 = tpu.memref_squeeze %dma_wait3A_19 : memref<1x16xi32, #tpu.memory_space<hbm>> -> memref<16xi32, #tpu.memory_space<hbm>>
      tpu.wait_dma2 semaphore(%run_scoped3A : memref<!tpu.dma_semaphore, #tpu.memory_space<semaphore_mem>>) src(%dma_wait3A_20 : memref<16xi32, #tpu.memory_space<hbm>>) dst(%arg8 : memref<16xi32, #tpu.memory_space<vmem>>)
      tpu.yield
    }) : () -> ()
    %get3A = arith.constant 0 : index
    %get3A_1 = tpu.vector_load %arg8[%get3A] {strides = array<i32>} : memref<16xi32, #tpu.memory_space<vmem>>, vector<16xi32>,
    %reduce_max3A = arith.constant true
    %reduce_max3A_2 = vector.broadcast %reduce_max3A : i1 to vector<16xi1>
    %reduce_max3A_3 = arith.constant -2147483648 : i32
    %reduce_max3A_4 = vector.broadcast %reduce_max3A_3 : i32 to vector<16xi32>
    %reduce_max3A_5 = arith.xori %get3A_1, %reduce_max3A_4 : vector<16xi32>
    %reduce_max3A_6 = tpu.scan <max>, %reduce_max3A_5 masked %reduce_max3A_2 : vector<16xi32>, vector<16xi1> -> vector<16xi32>
    %reduce_max3A_7 = arith.xori %reduce_max3A_6, %reduce_max3A_4 : vector<16xi32>
    %reduce_max3A_8 = vector.extract %reduce_max3A_7[15] : i32 from vector<16xi32>
    %gt3A = arith.constant 0 : i32
    %gt3A_9 = arith.cmpi sgt, %reduce_max3A_8, %gt3A : i32
    %convert_element_type3A = arith.extui %gt3A_9 : i1 to i32
    %cond3A = arith.constant 0 : i32
    %cond3A_10 = arith.cmpi ne, %convert_element_type3A, %cond3A : i32
    scf.if %cond3A_10 {
      "tpu.region"() ({
        %run_scoped3A = tpu.sem_alloc : memref<!tpu.dma_semaphore, #tpu.memory_space<semaphore_mem>>
        %dma_start3A_68 = arith.constant 0 : i32
        %dma_start3A_69 = arith.constant 0 : i32
        %dma_start3A_70 = tpu.memref_slice %arg4[%add3A, %dma_start3A_68, %dma_start3A_69] : memref<32x257x16xi32, #tpu.memory_space<hbm>> -> memref<1x257x16xi32, #tpu.memory_space<hbm>>
        %dma_start3A_71 = tpu.memref_squeeze %dma_start3A_70 : memref<1x257x16xi32, #tpu.memory_space<hbm>> -> memref<257x16xi32, #tpu.memory_space<hbm>>
        %dma_start3A_72 = arith.constant 0 : i32
        %dma_start3A_73 = arith.constant 0 : i32
        %dma_start3A_74 = tpu.memref_slice %arg4[%add3A, %dma_start3A_72, %dma_start3A_73] : memref<32x257x16xi32, #tpu.memory_space<hbm>> -> memref<1x257x16xi32, #tpu.memory_space<hbm>>
        %dma_start3A_75 = tpu.memref_squeeze %dma_start3A_74 : memref<1x257x16xi32, #tpu.memory_space<hbm>> -> memref<257x16xi32, #tpu.memory_space<hbm>>
        tpu.enqueue_dma source(%dma_start3A_75 : memref<257x16xi32, #tpu.memory_space<hbm>>) target(%arg7 : memref<257x16xi32, #tpu.memory_space<vmem>>) target_semaphore(%run_scoped3A : memref<!tpu.dma_semaphore, #tpu.memory_space<semaphore_mem>>)
        %dma_wait3A_76 = arith.constant 0 : i32
        %dma_wait3A_77 = arith.constant 0 : i32
        %dma_wait3A_78 = tpu.memref_slice %arg4[%add3A, %dma_wait3A_76, %dma_wait3A_77] : memref<32x257x16xi32, #tpu.memory_space<hbm>> -> memref<1x257x16xi32, #tpu.memory_space<hbm>>
        %dma_wait3A_79 = tpu.memref_squeeze %dma_wait3A_78 : memref<1x257x16xi32, #tpu.memory_space<hbm>> -> memref<257x16xi32, #tpu.memory_space<hbm>>
        %dma_wait3A_80 = arith.constant 0 : i32
        %dma_wait3A_81 = arith.constant 0 : i32
        %dma_wait3A_82 = tpu.memref_slice %arg4[%add3A, %dma_wait3A_80, %dma_wait3A_81] : memref<32x257x16xi32, #tpu.memory_space<hbm>> -> memref<1x257x16xi32, #tpu.memory_space<hbm>>
        %dma_wait3A_83 = tpu.memref_squeeze %dma_wait3A_82 : memref<1x257x16xi32, #tpu.memory_space<hbm>> -> memref<257x16xi32, #tpu.memory_space<hbm>>
        tpu.wait_dma2 semaphore(%run_scoped3A : memref<!tpu.dma_semaphore, #tpu.memory_space<semaphore_mem>>) src(%dma_wait3A_83 : memref<257x16xi32, #tpu.memory_space<hbm>>) dst(%arg7 : memref<257x16xi32, #tpu.memory_space<vmem>>)
        tpu.yield
      }) : () -> ()
      %while3A = arith.constant 0 : i32
      %while3A_11 = arith.constant 0 : i32
      %while3A_12 = arith.subi %reduce_max3A_8, %while3A : i32
      %while3A_13 = arith.addi %while3A, %while3A_12 : i32
      %while3A_14 = arith.constant 1 : i32
      %while3A_15 = arith.divsi %while3A_12, %while3A_14 : i32
      %while3A_16 = arith.muli %while3A_15, %while3A_14 : i32
      %while3A_17 = arith.addi %while3A, %while3A_16 : i32
      %while3A_18 = arith.constant 1 : i32
      %while3A_19 = scf.for %while3A_68 = %while3A to %while3A_17 step %while3A_18 iter_args(%while3A_69 = %while3A_11) -> (i32)  : i32 {
        %jit3A_70 = arith.constant 2 : i32
        %eq3A_71 = arith.constant 0 : i32
        %eq3A_72 = arith.cmpi eq, %jit3A_70, %eq3A_71 : i32
        %jit3A_73 = arith.constant 1 : i32
        %select_n3A_74 = arith.select %eq3A_72, %jit3A_73, %jit3A_70 : i32
        %rem3A_75 = arith.remsi %while3A_68, %select_n3A_74 : i32
        %ne3A_76 = arith.constant 0 : i32
        %ne3A_77 = arith.cmpi ne, %rem3A_75, %ne3A_76 : i32
        %lt3A_78 = arith.constant 0 : i32
        %lt3A_79 = arith.cmpi slt, %rem3A_75, %lt3A_78 : i32
        %lt3A_80 = arith.constant 0 : i32
        %lt3A_81 = arith.cmpi slt, %select_n3A_74, %lt3A_80 : i32
        %ne3A_82 = arith.xori %lt3A_79, %lt3A_81 : i1
        %and3A_83 = arith.andi %ne3A_82, %ne3A_77 : i1
        %add3A_84 = arith.addi %rem3A_75, %select_n3A_74 : i32
        %select_n3A_85 = arith.select %and3A_83, %add3A_84, %rem3A_75 : i32
        %ge3A = arith.constant 2 : i32
        %ge3A_86 = arith.cmpi sge, %while3A_68, %ge3A : i32
        %convert_element_type3A_87 = arith.extui %ge3A_86 : i1 to i32
        %cond3A_88 = arith.constant 0 : i32
        %cond3A_89 = arith.cmpi ne, %convert_element_type3A_87, %cond3A_88 : i32
        scf.if %cond3A_89 {
          %dma_wait3A_108 = arith.constant 0 : i32
          %dma_wait3A_109 = arith.constant 0 : i32
          %dma_wait3A_110 = tpu.memref_slice %arg9[%select_n3A_85, %dma_wait3A_108, %dma_wait3A_109] : memref<2x16x256xf32, #tpu.memory_space<vmem>> -> memref<1x16x256xf32, #tpu.memory_space<vmem>>
          %dma_wait3A_111 = tpu.memref_squeeze %dma_wait3A_110 : memref<1x16x256xf32, #tpu.memory_space<vmem>> -> memref<16x256xf32, #tpu.memory_space<vmem>>
          %dma_wait3A_112 = arith.constant 0 : i32
          %dma_wait3A_113 = tpu.memref_slice %arg7[%while3A_68, %dma_wait3A_112] : memref<257x16xi32, #tpu.memory_space<vmem>> -> memref<1x16xi32, #tpu.memory_space<vmem>>
          %dma_wait3A_114 = tpu.memref_squeeze %dma_wait3A_113 : memref<1x16xi32, #tpu.memory_space<vmem>> -> memref<16xi32, #tpu.memory_space<vmem>>
          %dma_wait3A_115 = arith.constant 0 : i32
          %dma_wait3A_116 = arith.constant 0 : i32
          %dma_wait3A_117 = tpu.memref_slice %arg2[%dma_wait3A_115, %dma_wait3A_116] : memref<131072x256xf32, #tpu.memory_space<hbm>> -> memref<131072x256xf32, #tpu.memory_space<hbm>>
          %dma_wait3A_118 = tpu.memref_slice %arg11[%select_n3A_85] : memref<2x!tpu.dma_semaphore, #tpu.memory_space<semaphore_mem>> -> memref<1x!tpu.dma_semaphore, #tpu.memory_space<semaphore_mem>>
          %dma_wait3A_119 = tpu.memref_squeeze %dma_wait3A_118 : memref<1x!tpu.dma_semaphore, #tpu.memory_space<semaphore_mem>> -> memref<!tpu.dma_semaphore, #tpu.memory_space<semaphore_mem>>
          tpu.wait_indirect_dma semaphore(%dma_wait3A_119 : memref<!tpu.dma_semaphore, #tpu.memory_space<semaphore_mem>>) src(%dma_wait3A_111 : memref<16x256xf32, #tpu.memory_space<vmem>>) dst(%dma_wait3A_117 : memref<131072x256xf32, #tpu.memory_space<hbm>>)
        } else {
        }
        %dma_start3A_90 = arith.constant 0 : i32
        %dma_start3A_91 = arith.constant 0 : i32
        %dma_start3A_92 = tpu.memref_slice %arg9[%select_n3A_85, %dma_start3A_90, %dma_start3A_91] : memref<2x16x256xf32, #tpu.memory_space<vmem>> -> memref<1x16x256xf32, #tpu.memory_space<vmem>>
        %dma_start3A_93 = tpu.memref_squeeze %dma_start3A_92 : memref<1x16x256xf32, #tpu.memory_space<vmem>> -> memref<16x256xf32, #tpu.memory_space<vmem>>
        %dma_start3A_94 = arith.constant 0 : i32
        %dma_start3A_95 = tpu.memref_slice %arg7[%while3A_68, %dma_start3A_94] : memref<257x16xi32, #tpu.memory_space<vmem>> -> memref<1x16xi32, #tpu.memory_space<vmem>>
        %dma_start3A_96 = tpu.memref_squeeze %dma_start3A_95 : memref<1x16xi32, #tpu.memory_space<vmem>> -> memref<16xi32, #tpu.memory_space<vmem>>
        %dma_start3A_97 = arith.constant 0 : i32
        %dma_start3A_98 = arith.constant 0 : i32
        %dma_start3A_99 = tpu.memref_slice %arg3[%dma_start3A_97, %dma_start3A_98] : memref<131072x256xf32, #tpu.memory_space<hbm>> -> memref<131072x256xf32, #tpu.memory_space<hbm>>
        %dma_start3A_100 = tpu.memref_slice %arg10[%select_n3A_85] : memref<2x!tpu.dma_semaphore, #tpu.memory_space<semaphore_mem>> -> memref<1x!tpu.dma_semaphore, #tpu.memory_space<semaphore_mem>>
        %dma_start3A_101 = tpu.memref_squeeze %dma_start3A_100 : memref<1x!tpu.dma_semaphore, #tpu.memory_space<semaphore_mem>> -> memref<!tpu.dma_semaphore, #tpu.memory_space<semaphore_mem>>
        tpu.enqueue_indirect_dma source(%dma_start3A_99 : memref<131072x256xf32, #tpu.memory_space<hbm>>) target(%dma_start3A_93 : memref<16x256xf32, #tpu.memory_space<vmem>>) offsets(%dma_start3A_96 : memref<16xi32, #tpu.memory_space<vmem>>) semaphore(%dma_start3A_101 : memref<!tpu.dma_semaphore, #tpu.memory_space<semaphore_mem>>)
        %ge3A_102 = arith.constant 1 : i32
        %ge3A_103 = arith.cmpi sge, %while3A_68, %ge3A_102 : i32
        %convert_element_type3A_104 = arith.extui %ge3A_103 : i1 to i32
        %cond3A_105 = arith.constant 0 : i32
        %cond3A_106 = arith.cmpi ne, %convert_element_type3A_104, %cond3A_105 : i32
        scf.if %cond3A_106 {
          %sub3A_108 = arith.constant 1 : i32
          %sub3A_109 = arith.subi %while3A_68, %sub3A_108 : i32
          %jit3A_110 = arith.constant 2 : i32
          %eq3A_111 = arith.constant 0 : i32
          %eq3A_112 = arith.cmpi eq, %jit3A_110, %eq3A_111 : i32
          %jit3A_113 = arith.constant 1 : i32
          %select_n3A_114 = arith.select %eq3A_112, %jit3A_113, %jit3A_110 : i32
          %rem3A_115 = arith.remsi %sub3A_109, %select_n3A_114 : i32
          %ne3A_116 = arith.constant 0 : i32
          %ne3A_117 = arith.cmpi ne, %rem3A_115, %ne3A_116 : i32
          %lt3A_118 = arith.constant 0 : i32
          %lt3A_119 = arith.cmpi slt, %rem3A_115, %lt3A_118 : i32
          %lt3A_120 = arith.constant 0 : i32
          %lt3A_121 = arith.cmpi slt, %select_n3A_114, %lt3A_120 : i32
          %ne3A_122 = arith.xori %lt3A_119, %lt3A_121 : i1
          %and3A_123 = arith.andi %ne3A_122, %ne3A_117 : i1
          %add3A_124 = arith.addi %rem3A_115, %select_n3A_114 : i32
          %select_n3A_125 = arith.select %and3A_123, %add3A_124, %rem3A_115 : i32
          %sub3A_126 = arith.constant 1 : i32
          %sub3A_127 = arith.subi %while3A_68, %sub3A_126 : i32
          %dma_wait3A_128 = arith.constant 0 : i32
          %dma_wait3A_129 = arith.constant 0 : i32
          %dma_wait3A_130 = tpu.memref_slice %arg9[%select_n3A_125, %dma_wait3A_128, %dma_wait3A_129] : memref<2x16x256xf32, #tpu.memory_space<vmem>> -> memref<1x16x256xf32, #tpu.memory_space<vmem>>
          %dma_wait3A_131 = tpu.memref_squeeze %dma_wait3A_130 : memref<1x16x256xf32, #tpu.memory_space<vmem>> -> memref<16x256xf32, #tpu.memory_space<vmem>>
          %dma_wait3A_132 = arith.constant 0 : i32
          %dma_wait3A_133 = tpu.memref_slice %arg7[%sub3A_127, %dma_wait3A_132] : memref<257x16xi32, #tpu.memory_space<vmem>> -> memref<1x16xi32, #tpu.memory_space<vmem>>
          %dma_wait3A_134 = tpu.memref_squeeze %dma_wait3A_133 : memref<1x16xi32, #tpu.memory_space<vmem>> -> memref<16xi32, #tpu.memory_space<vmem>>
          %dma_wait3A_135 = arith.constant 0 : i32
          %dma_wait3A_136 = arith.constant 0 : i32
          %dma_wait3A_137 = tpu.memref_slice %arg3[%dma_wait3A_135, %dma_wait3A_136] : memref<131072x256xf32, #tpu.memory_space<hbm>> -> memref<131072x256xf32, #tpu.memory_space<hbm>>
          %dma_wait3A_138 = tpu.memref_slice %arg10[%select_n3A_125] : memref<2x!tpu.dma_semaphore, #tpu.memory_space<semaphore_mem>> -> memref<1x!tpu.dma_semaphore, #tpu.memory_space<semaphore_mem>>
          %dma_wait3A_139 = tpu.memref_squeeze %dma_wait3A_138 : memref<1x!tpu.dma_semaphore, #tpu.memory_space<semaphore_mem>> -> memref<!tpu.dma_semaphore, #tpu.memory_space<semaphore_mem>>
          tpu.wait_indirect_dma semaphore(%dma_wait3A_139 : memref<!tpu.dma_semaphore, #tpu.memory_space<semaphore_mem>>) src(%dma_wait3A_137 : memref<131072x256xf32, #tpu.memory_space<hbm>>) dst(%dma_wait3A_131 : memref<16x256xf32, #tpu.memory_space<vmem>>)
          %sub3A_140 = arith.constant 1 : i32
          %sub3A_141 = arith.subi %while3A_68, %sub3A_140 : i32
          %dma_start3A_142 = arith.constant 0 : i32
          %dma_start3A_143 = arith.constant 0 : i32
          %dma_start3A_144 = tpu.memref_slice %arg9[%select_n3A_125, %dma_start3A_142, %dma_start3A_143] : memref<2x16x256xf32, #tpu.memory_space<vmem>> -> memref<1x16x256xf32, #tpu.memory_space<vmem>>
          %dma_start3A_145 = tpu.memref_squeeze %dma_start3A_144 : memref<1x16x256xf32, #tpu.memory_space<vmem>> -> memref<16x256xf32, #tpu.memory_space<vmem>>
          %dma_start3A_146 = arith.constant 0 : i32
          %dma_start3A_147 = tpu.memref_slice %arg7[%sub3A_141, %dma_start3A_146] : memref<257x16xi32, #tpu.memory_space<vmem>> -> memref<1x16xi32, #tpu.memory_space<vmem>>
          %dma_start3A_148 = tpu.memref_squeeze %dma_start3A_147 : memref<1x16xi32, #tpu.memory_space<vmem>> -> memref<16xi32, #tpu.memory_space<vmem>>
          %dma_start3A_149 = arith.constant 0 : i32
          %dma_start3A_150 = arith.constant 0 : i32
          %dma_start3A_151 = tpu.memref_slice %arg2[%dma_start3A_149, %dma_start3A_150] : memref<131072x256xf32, #tpu.memory_space<hbm>> -> memref<131072x256xf32, #tpu.memory_space<hbm>>
          %dma_start3A_152 = tpu.memref_slice %arg11[%select_n3A_125] : memref<2x!tpu.dma_semaphore, #tpu.memory_space<semaphore_mem>> -> memref<1x!tpu.dma_semaphore, #tpu.memory_space<semaphore_mem>>
          %dma_start3A_153 = tpu.memref_squeeze %dma_start3A_152 : memref<1x!tpu.dma_semaphore, #tpu.memory_space<semaphore_mem>> -> memref<!tpu.dma_semaphore, #tpu.memory_space<semaphore_mem>>
          tpu.enqueue_indirect_dma source(%dma_start3A_145 : memref<16x256xf32, #tpu.memory_space<vmem>>) target(%dma_start3A_151 : memref<131072x256xf32, #tpu.memory_space<hbm>>) offsets(%dma_start3A_148 : memref<16xi32, #tpu.memory_space<vmem>>) semaphore(%dma_start3A_153 : memref<!tpu.dma_semaphore, #tpu.memory_space<semaphore_mem>>)
        } else {
        }
        %while3A_107 = arith.constant 0 : i32
        scf.yield %while3A_107 : i32
      }
      %while3A_20 = arith.constant 1 : i32
      %while3A_21 = scf.for %while3A_68 = %while3A_17 to %while3A_13 step %while3A_20 iter_args(%while3A_69 = %while3A_19) -> (i32)  : i32 {
        %jit3A_70 = arith.constant 2 : i32
        %eq3A_71 = arith.constant 0 : i32
        %eq3A_72 = arith.cmpi eq, %jit3A_70, %eq3A_71 : i32
        %jit3A_73 = arith.constant 1 : i32
        %select_n3A_74 = arith.select %eq3A_72, %jit3A_73, %jit3A_70 : i32
        %rem3A_75 = arith.remsi %while3A_68, %select_n3A_74 : i32
        %ne3A_76 = arith.constant 0 : i32
        %ne3A_77 = arith.cmpi ne, %rem3A_75, %ne3A_76 : i32
        %lt3A_78 = arith.constant 0 : i32
        %lt3A_79 = arith.cmpi slt, %rem3A_75, %lt3A_78 : i32
        %lt3A_80 = arith.constant 0 : i32
        %lt3A_81 = arith.cmpi slt, %select_n3A_74, %lt3A_80 : i32
        %ne3A_82 = arith.xori %lt3A_79, %lt3A_81 : i1
        %and3A_83 = arith.andi %ne3A_82, %ne3A_77 : i1
        %add3A_84 = arith.addi %rem3A_75, %select_n3A_74 : i32
        %select_n3A_85 = arith.select %and3A_83, %add3A_84, %rem3A_75 : i32
        %ge3A = arith.constant 2 : i32
        %ge3A_86 = arith.cmpi sge, %while3A_68, %ge3A : i32
        %convert_element_type3A_87 = arith.extui %ge3A_86 : i1 to i32
        %cond3A_88 = arith.constant 0 : i32
        %cond3A_89 = arith.cmpi ne, %convert_element_type3A_87, %cond3A_88 : i32
        scf.if %cond3A_89 {
          %dma_wait3A_108 = arith.constant 0 : i32
          %dma_wait3A_109 = arith.constant 0 : i32
          %dma_wait3A_110 = tpu.memref_slice %arg9[%select_n3A_85, %dma_wait3A_108, %dma_wait3A_109] : memref<2x16x256xf32, #tpu.memory_space<vmem>> -> memref<1x16x256xf32, #tpu.memory_space<vmem>>
          %dma_wait3A_111 = tpu.memref_squeeze %dma_wait3A_110 : memref<1x16x256xf32, #tpu.memory_space<vmem>> -> memref<16x256xf32, #tpu.memory_space<vmem>>
          %dma_wait3A_112 = arith.constant 0 : i32
          %dma_wait3A_113 = tpu.memref_slice %arg7[%while3A_68, %dma_wait3A_112] : memref<257x16xi32, #tpu.memory_space<vmem>> -> memref<1x16xi32, #tpu.memory_space<vmem>>
          %dma_wait3A_114 = tpu.memref_squeeze %dma_wait3A_113 : memref<1x16xi32, #tpu.memory_space<vmem>> -> memref<16xi32, #tpu.memory_space<vmem>>
          %dma_wait3A_115 = arith.constant 0 : i32
          %dma_wait3A_116 = arith.constant 0 : i32
          %dma_wait3A_117 = tpu.memref_slice %arg2[%dma_wait3A_115, %dma_wait3A_116] : memref<131072x256xf32, #tpu.memory_space<hbm>> -> memref<131072x256xf32, #tpu.memory_space<hbm>>
          %dma_wait3A_118 = tpu.memref_slice %arg11[%select_n3A_85] : memref<2x!tpu.dma_semaphore, #tpu.memory_space<semaphore_mem>> -> memref<1x!tpu.dma_semaphore, #tpu.memory_space<semaphore_mem>>
          %dma_wait3A_119 = tpu.memref_squeeze %dma_wait3A_118 : memref<1x!tpu.dma_semaphore, #tpu.memory_space<semaphore_mem>> -> memref<!tpu.dma_semaphore, #tpu.memory_space<semaphore_mem>>
          tpu.wait_indirect_dma semaphore(%dma_wait3A_119 : memref<!tpu.dma_semaphore, #tpu.memory_space<semaphore_mem>>) src(%dma_wait3A_111 : memref<16x256xf32, #tpu.memory_space<vmem>>) dst(%dma_wait3A_117 : memref<131072x256xf32, #tpu.memory_space<hbm>>)
        } else {
        }
        %dma_start3A_90 = arith.constant 0 : i32
        %dma_start3A_91 = arith.constant 0 : i32
        %dma_start3A_92 = tpu.memref_slice %arg9[%select_n3A_85, %dma_start3A_90, %dma_start3A_91] : memref<2x16x256xf32, #tpu.memory_space<vmem>> -> memref<1x16x256xf32, #tpu.memory_space<vmem>>
        %dma_start3A_93 = tpu.memref_squeeze %dma_start3A_92 : memref<1x16x256xf32, #tpu.memory_space<vmem>> -> memref<16x256xf32, #tpu.memory_space<vmem>>
        %dma_start3A_94 = arith.constant 0 : i32
        %dma_start3A_95 = tpu.memref_slice %arg7[%while3A_68, %dma_start3A_94] : memref<257x16xi32, #tpu.memory_space<vmem>> -> memref<1x16xi32, #tpu.memory_space<vmem>>
        %dma_start3A_96 = tpu.memref_squeeze %dma_start3A_95 : memref<1x16xi32, #tpu.memory_space<vmem>> -> memref<16xi32, #tpu.memory_space<vmem>>
        %dma_start3A_97 = arith.constant 0 : i32
        %dma_start3A_98 = arith.constant 0 : i32
        %dma_start3A_99 = tpu.memref_slice %arg3[%dma_start3A_97, %dma_start3A_98] : memref<131072x256xf32, #tpu.memory_space<hbm>> -> memref<131072x256xf32, #tpu.memory_space<hbm>>
        %dma_start3A_100 = tpu.memref_slice %arg10[%select_n3A_85] : memref<2x!tpu.dma_semaphore, #tpu.memory_space<semaphore_mem>> -> memref<1x!tpu.dma_semaphore, #tpu.memory_space<semaphore_mem>>
        %dma_start3A_101 = tpu.memref_squeeze %dma_start3A_100 : memref<1x!tpu.dma_semaphore, #tpu.memory_space<semaphore_mem>> -> memref<!tpu.dma_semaphore, #tpu.memory_space<semaphore_mem>>
        tpu.enqueue_indirect_dma source(%dma_start3A_99 : memref<131072x256xf32, #tpu.memory_space<hbm>>) target(%dma_start3A_93 : memref<16x256xf32, #tpu.memory_space<vmem>>) offsets(%dma_start3A_96 : memref<16xi32, #tpu.memory_space<vmem>>) semaphore(%dma_start3A_101 : memref<!tpu.dma_semaphore, #tpu.memory_space<semaphore_mem>>)
        %ge3A_102 = arith.constant 1 : i32
        %ge3A_103 = arith.cmpi sge, %while3A_68, %ge3A_102 : i32
        %convert_element_type3A_104 = arith.extui %ge3A_103 : i1 to i32
        %cond3A_105 = arith.constant 0 : i32
        %cond3A_106 = arith.cmpi ne, %convert_element_type3A_104, %cond3A_105 : i32
        scf.if %cond3A_106 {
          %sub3A_108 = arith.constant 1 : i32
          %sub3A_109 = arith.subi %while3A_68, %sub3A_108 : i32
          %jit3A_110 = arith.constant 2 : i32
          %eq3A_111 = arith.constant 0 : i32
          %eq3A_112 = arith.cmpi eq, %jit3A_110, %eq3A_111 : i32
          %jit3A_113 = arith.constant 1 : i32
          %select_n3A_114 = arith.select %eq3A_112, %jit3A_113, %jit3A_110 : i32
          %rem3A_115 = arith.remsi %sub3A_109, %select_n3A_114 : i32
          %ne3A_116 = arith.constant 0 : i32
          %ne3A_117 = arith.cmpi ne, %rem3A_115, %ne3A_116 : i32
          %lt3A_118 = arith.constant 0 : i32
          %lt3A_119 = arith.cmpi slt, %rem3A_115, %lt3A_118 : i32
          %lt3A_120 = arith.constant 0 : i32
          %lt3A_121 = arith.cmpi slt, %select_n3A_114, %lt3A_120 : i32
          %ne3A_122 = arith.xori %lt3A_119, %lt3A_121 : i1
          %and3A_123 = arith.andi %ne3A_122, %ne3A_117 : i1
          %add3A_124 = arith.addi %rem3A_115, %select_n3A_114 : i32
          %select_n3A_125 = arith.select %and3A_123, %add3A_124, %rem3A_115 : i32
          %sub3A_126 = arith.constant 1 : i32
          %sub3A_127 = arith.subi %while3A_68, %sub3A_126 : i32
          %dma_wait3A_128 = arith.constant 0 : i32
          %dma_wait3A_129 = arith.constant 0 : i32
          %dma_wait3A_130 = tpu.memref_slice %arg9[%select_n3A_125, %dma_wait3A_128, %dma_wait3A_129] : memref<2x16x256xf32, #tpu.memory_space<vmem>> -> memref<1x16x256xf32, #tpu.memory_space<vmem>>
          %dma_wait3A_131 = tpu.memref_squeeze %dma_wait3A_130 : memref<1x16x256xf32, #tpu.memory_space<vmem>> -> memref<16x256xf32, #tpu.memory_space<vmem>>
          %dma_wait3A_132 = arith.constant 0 : i32
          %dma_wait3A_133 = tpu.memref_slice %arg7[%sub3A_127, %dma_wait3A_132] : memref<257x16xi32, #tpu.memory_space<vmem>> -> memref<1x16xi32, #tpu.memory_space<vmem>>
          %dma_wait3A_134 = tpu.memref_squeeze %dma_wait3A_133 : memref<1x16xi32, #tpu.memory_space<vmem>> -> memref<16xi32, #tpu.memory_space<vmem>>
          %dma_wait3A_135 = arith.constant 0 : i32
          %dma_wait3A_136 = arith.constant 0 : i32
          %dma_wait3A_137 = tpu.memref_slice %arg3[%dma_wait3A_135, %dma_wait3A_136] : memref<131072x256xf32, #tpu.memory_space<hbm>> -> memref<131072x256xf32, #tpu.memory_space<hbm>>
          %dma_wait3A_138 = tpu.memref_slice %arg10[%select_n3A_125] : memref<2x!tpu.dma_semaphore, #tpu.memory_space<semaphore_mem>> -> memref<1x!tpu.dma_semaphore, #tpu.memory_space<semaphore_mem>>
          %dma_wait3A_139 = tpu.memref_squeeze %dma_wait3A_138 : memref<1x!tpu.dma_semaphore, #tpu.memory_space<semaphore_mem>> -> memref<!tpu.dma_semaphore, #tpu.memory_space<semaphore_mem>>
          tpu.wait_indirect_dma semaphore(%dma_wait3A_139 : memref<!tpu.dma_semaphore, #tpu.memory_space<semaphore_mem>>) src(%dma_wait3A_137 : memref<131072x256xf32, #tpu.memory_space<hbm>>) dst(%dma_wait3A_131 : memref<16x256xf32, #tpu.memory_space<vmem>>)
          %sub3A_140 = arith.constant 1 : i32
          %sub3A_141 = arith.subi %while3A_68, %sub3A_140 : i32
          %dma_start3A_142 = arith.constant 0 : i32
          %dma_start3A_143 = arith.constant 0 : i32
          %dma_start3A_144 = tpu.memref_slice %arg9[%select_n3A_125, %dma_start3A_142, %dma_start3A_143] : memref<2x16x256xf32, #tpu.memory_space<vmem>> -> memref<1x16x256xf32, #tpu.memory_space<vmem>>
          %dma_start3A_145 = tpu.memref_squeeze %dma_start3A_144 : memref<1x16x256xf32, #tpu.memory_space<vmem>> -> memref<16x256xf32, #tpu.memory_space<vmem>>
          %dma_start3A_146 = arith.constant 0 : i32
          %dma_start3A_147 = tpu.memref_slice %arg7[%sub3A_141, %dma_start3A_146] : memref<257x16xi32, #tpu.memory_space<vmem>> -> memref<1x16xi32, #tpu.memory_space<vmem>>
          %dma_start3A_148 = tpu.memref_squeeze %dma_start3A_147 : memref<1x16xi32, #tpu.memory_space<vmem>> -> memref<16xi32, #tpu.memory_space<vmem>>
          %dma_start3A_149 = arith.constant 0 : i32
          %dma_start3A_150 = arith.constant 0 : i32
          %dma_start3A_151 = tpu.memref_slice %arg2[%dma_start3A_149, %dma_start3A_150] : memref<131072x256xf32, #tpu.memory_space<hbm>> -> memref<131072x256xf32, #tpu.memory_space<hbm>>
          %dma_start3A_152 = tpu.memref_slice %arg11[%select_n3A_125] : memref<2x!tpu.dma_semaphore, #tpu.memory_space<semaphore_mem>> -> memref<1x!tpu.dma_semaphore, #tpu.memory_space<semaphore_mem>>
          %dma_start3A_153 = tpu.memref_squeeze %dma_start3A_152 : memref<1x!tpu.dma_semaphore, #tpu.memory_space<semaphore_mem>> -> memref<!tpu.dma_semaphore, #tpu.memory_space<semaphore_mem>>
          tpu.enqueue_indirect_dma source(%dma_start3A_145 : memref<16x256xf32, #tpu.memory_space<vmem>>) target(%dma_start3A_151 : memref<131072x256xf32, #tpu.memory_space<hbm>>) offsets(%dma_start3A_148 : memref<16xi32, #tpu.memory_space<vmem>>) semaphore(%dma_start3A_153 : memref<!tpu.dma_semaphore, #tpu.memory_space<semaphore_mem>>)
        } else {
        }
        %while3A_107 = arith.constant 0 : i32
        scf.yield %while3A_107 : i32
      }
      %sub3A = arith.constant 1 : i32
      %sub3A_22 = arith.subi %reduce_max3A_8, %sub3A : i32
      %jit3A = arith.constant 2 : i32
      %eq3A = arith.constant 0 : i32
      %eq3A_23 = arith.cmpi eq, %jit3A, %eq3A : i32
      %jit3A_24 = arith.constant 1 : i32
      %select_n3A = arith.select %eq3A_23, %jit3A_24, %jit3A : i32
      %rem3A = arith.remsi %sub3A_22, %select_n3A : i32
      %ne3A = arith.constant 0 : i32
      %ne3A_25 = arith.cmpi ne, %rem3A, %ne3A : i32
      %lt3A = arith.constant 0 : i32
      %lt3A_26 = arith.cmpi slt, %rem3A, %lt3A : i32
      %lt3A_27 = arith.constant 0 : i32
      %lt3A_28 = arith.cmpi slt, %select_n3A, %lt3A_27 : i32
      %ne3A_29 = arith.xori %lt3A_26, %lt3A_28 : i1
      %and3A = arith.andi %ne3A_29, %ne3A_25 : i1
      %add3A_30 = arith.addi %rem3A, %select_n3A : i32
      %select_n3A_31 = arith.select %and3A, %add3A_30, %rem3A : i32
      %sub3A_32 = arith.constant 1 : i32
      %sub3A_33 = arith.subi %reduce_max3A_8, %sub3A_32 : i32
      %dma_wait3A = arith.constant 0 : i32
      %dma_wait3A_34 = arith.constant 0 : i32
      %dma_wait3A_35 = tpu.memref_slice %arg9[%select_n3A_31, %dma_wait3A, %dma_wait3A_34] : memref<2x16x256xf32, #tpu.memory_space<vmem>> -> memref<1x16x256xf32, #tpu.memory_space<vmem>>
      %dma_wait3A_36 = tpu.memref_squeeze %dma_wait3A_35 : memref<1x16x256xf32, #tpu.memory_space<vmem>> -> memref<16x256xf32, #tpu.memory_space<vmem>>
      %dma_wait3A_37 = arith.constant 0 : i32
      %dma_wait3A_38 = tpu.memref_slice %arg7[%sub3A_33, %dma_wait3A_37] : memref<257x16xi32, #tpu.memory_space<vmem>> -> memref<1x16xi32, #tpu.memory_space<vmem>>
      %dma_wait3A_39 = tpu.memref_squeeze %dma_wait3A_38 : memref<1x16xi32, #tpu.memory_space<vmem>> -> memref<16xi32, #tpu.memory_space<vmem>>
      %dma_wait3A_40 = arith.constant 0 : i32
      %dma_wait3A_41 = arith.constant 0 : i32
      %dma_wait3A_42 = tpu.memref_slice %arg3[%dma_wait3A_40, %dma_wait3A_41] : memref<131072x256xf32, #tpu.memory_space<hbm>> -> memref<131072x256xf32, #tpu.memory_space<hbm>>
      %dma_wait3A_43 = tpu.memref_slice %arg10[%select_n3A_31] : memref<2x!tpu.dma_semaphore, #tpu.memory_space<semaphore_mem>> -> memref<1x!tpu.dma_semaphore, #tpu.memory_space<semaphore_mem>>
      %dma_wait3A_44 = tpu.memref_squeeze %dma_wait3A_43 : memref<1x!tpu.dma_semaphore, #tpu.memory_space<semaphore_mem>> -> memref<!tpu.dma_semaphore, #tpu.memory_space<semaphore_mem>>
      tpu.wait_indirect_dma semaphore(%dma_wait3A_44 : memref<!tpu.dma_semaphore, #tpu.memory_space<semaphore_mem>>) src(%dma_wait3A_42 : memref<131072x256xf32, #tpu.memory_space<hbm>>) dst(%dma_wait3A_36 : memref<16x256xf32, #tpu.memory_space<vmem>>)
      %sub3A_45 = arith.constant 1 : i32
      %sub3A_46 = arith.subi %reduce_max3A_8, %sub3A_45 : i32
      %dma_start3A = arith.constant 0 : i32
      %dma_start3A_47 = arith.constant 0 : i32
      %dma_start3A_48 = tpu.memref_slice %arg9[%select_n3A_31, %dma_start3A, %dma_start3A_47] : memref<2x16x256xf32, #tpu.memory_space<vmem>> -> memref<1x16x256xf32, #tpu.memory_space<vmem>>
      %dma_start3A_49 = tpu.memref_squeeze %dma_start3A_48 : memref<1x16x256xf32, #tpu.memory_space<vmem>> -> memref<16x256xf32, #tpu.memory_space<vmem>>
      %dma_start3A_50 = arith.constant 0 : i32
      %dma_start3A_51 = tpu.memref_slice %arg7[%sub3A_46, %dma_start3A_50] : memref<257x16xi32, #tpu.memory_space<vmem>> -> memref<1x16xi32, #tpu.memory_space<vmem>>
      %dma_start3A_52 = tpu.memref_squeeze %dma_start3A_51 : memref<1x16xi32, #tpu.memory_space<vmem>> -> memref<16xi32, #tpu.memory_space<vmem>>
      %dma_start3A_53 = arith.constant 0 : i32
      %dma_start3A_54 = arith.constant 0 : i32
      %dma_start3A_55 = tpu.memref_slice %arg2[%dma_start3A_53, %dma_start3A_54] : memref<131072x256xf32, #tpu.memory_space<hbm>> -> memref<131072x256xf32, #tpu.memory_space<hbm>>
      %dma_start3A_56 = tpu.memref_slice %arg11[%select_n3A_31] : memref<2x!tpu.dma_semaphore, #tpu.memory_space<semaphore_mem>> -> memref<1x!tpu.dma_semaphore, #tpu.memory_space<semaphore_mem>>
      %dma_start3A_57 = tpu.memref_squeeze %dma_start3A_56 : memref<1x!tpu.dma_semaphore, #tpu.memory_space<semaphore_mem>> -> memref<!tpu.dma_semaphore, #tpu.memory_space<semaphore_mem>>
      tpu.enqueue_indirect_dma source(%dma_start3A_49 : memref<16x256xf32, #tpu.memory_space<vmem>>) target(%dma_start3A_55 : memref<131072x256xf32, #tpu.memory_space<hbm>>) offsets(%dma_start3A_52 : memref<16xi32, #tpu.memory_space<vmem>>) semaphore(%dma_start3A_57 : memref<!tpu.dma_semaphore, #tpu.memory_space<semaphore_mem>>)
      %gt3A_58 = arith.constant 0 : i32
      %gt3A_59 = arith.cmpi sgt, %reduce_max3A_8, %gt3A_58 : i32
      %convert_element_type3A_60 = arith.extui %gt3A_59 : i1 to i32
      %cond3A_61 = arith.constant 0 : i32
      %cond3A_62 = arith.cmpi ne, %convert_element_type3A_60, %cond3A_61 : i32
      scf.if %cond3A_62 {
        %dma_wait3A_68 = arith.constant 0 : i32
        %dma_wait3A_69 = arith.constant 0 : i32
        %dma_wait3A_70 = arith.constant 0 : i32
        %dma_wait3A_71 = arith.constant 0 : i32
        %dma_wait3A_72 = arith.constant 0 : i32
        %dma_wait3A_73 = tpu.memref_slice %arg9[%dma_wait3A_68, %dma_wait3A_71, %dma_wait3A_72] : memref<2x16x256xf32, #tpu.memory_space<vmem>> -> memref<1x16x256xf32, #tpu.memory_space<vmem>>
        %dma_wait3A_74 = tpu.memref_squeeze %dma_wait3A_73 : memref<1x16x256xf32, #tpu.memory_space<vmem>> -> memref<16x256xf32, #tpu.memory_space<vmem>>
        %dma_wait3A_75 = arith.constant 0 : i32
        %dma_wait3A_76 = tpu.memref_slice %arg7[%dma_wait3A_69, %dma_wait3A_75] : memref<257x16xi32, #tpu.memory_space<vmem>> -> memref<1x16xi32, #tpu.memory_space<vmem>>
        %dma_wait3A_77 = tpu.memref_squeeze %dma_wait3A_76 : memref<1x16xi32, #tpu.memory_space<vmem>> -> memref<16xi32, #tpu.memory_space<vmem>>
        %dma_wait3A_78 = arith.constant 0 : i32
        %dma_wait3A_79 = arith.constant 0 : i32
        %dma_wait3A_80 = tpu.memref_slice %arg2[%dma_wait3A_78, %dma_wait3A_79] : memref<131072x256xf32, #tpu.memory_space<hbm>> -> memref<131072x256xf32, #tpu.memory_space<hbm>>
        %dma_wait3A_81 = tpu.memref_slice %arg11[%dma_wait3A_70] : memref<2x!tpu.dma_semaphore, #tpu.memory_space<semaphore_mem>> -> memref<1x!tpu.dma_semaphore, #tpu.memory_space<semaphore_mem>>
        %dma_wait3A_82 = tpu.memref_squeeze %dma_wait3A_81 : memref<1x!tpu.dma_semaphore, #tpu.memory_space<semaphore_mem>> -> memref<!tpu.dma_semaphore, #tpu.memory_space<semaphore_mem>>
        tpu.wait_indirect_dma semaphore(%dma_wait3A_82 : memref<!tpu.dma_semaphore, #tpu.memory_space<semaphore_mem>>) src(%dma_wait3A_74 : memref<16x256xf32, #tpu.memory_space<vmem>>) dst(%dma_wait3A_80 : memref<131072x256xf32, #tpu.memory_space<hbm>>)
      } else {
      }
      %gt3A_63 = arith.constant 1 : i32
      %gt3A_64 = arith.cmpi sgt, %reduce_max3A_8, %gt3A_63 : i32
      %convert_element_type3A_65 = arith.extui %gt3A_64 : i1 to i32
      %cond3A_66 = arith.constant 0 : i32
      %cond3A_67 = arith.cmpi ne, %convert_element_type3A_65, %cond3A_66 : i32
      scf.if %cond3A_67 {
        %dma_wait3A_68 = arith.constant 1 : i32
        %dma_wait3A_69 = arith.constant 0 : i32
        %dma_wait3A_70 = arith.constant 1 : i32
        %dma_wait3A_71 = arith.constant 0 : i32
        %dma_wait3A_72 = arith.constant 0 : i32
        %dma_wait3A_73 = tpu.memref_slice %arg9[%dma_wait3A_68, %dma_wait3A_71, %dma_wait3A_72] : memref<2x16x256xf32, #tpu.memory_space<vmem>> -> memref<1x16x256xf32, #tpu.memory_space<vmem>>
        %dma_wait3A_74 = tpu.memref_squeeze %dma_wait3A_73 : memref<1x16x256xf32, #tpu.memory_space<vmem>> -> memref<16x256xf32, #tpu.memory_space<vmem>>
        %dma_wait3A_75 = arith.constant 0 : i32
        %dma_wait3A_76 = tpu.memref_slice %arg7[%dma_wait3A_69, %dma_wait3A_75] : memref<257x16xi32, #tpu.memory_space<vmem>> -> memref<1x16xi32, #tpu.memory_space<vmem>>
        %dma_wait3A_77 = tpu.memref_squeeze %dma_wait3A_76 : memref<1x16xi32, #tpu.memory_space<vmem>> -> memref<16xi32, #tpu.memory_space<vmem>>
        %dma_wait3A_78 = arith.constant 0 : i32
        %dma_wait3A_79 = arith.constant 0 : i32
        %dma_wait3A_80 = tpu.memref_slice %arg2[%dma_wait3A_78, %dma_wait3A_79] : memref<131072x256xf32, #tpu.memory_space<hbm>> -> memref<131072x256xf32, #tpu.memory_space<hbm>>
        %dma_wait3A_81 = tpu.memref_slice %arg11[%dma_wait3A_70] : memref<2x!tpu.dma_semaphore, #tpu.memory_space<semaphore_mem>> -> memref<1x!tpu.dma_semaphore, #tpu.memory_space<semaphore_mem>>
        %dma_wait3A_82 = tpu.memref_squeeze %dma_wait3A_81 : memref<1x!tpu.dma_semaphore, #tpu.memory_space<semaphore_mem>> -> memref<!tpu.dma_semaphore, #tpu.memory_space<semaphore_mem>>
        tpu.wait_indirect_dma semaphore(%dma_wait3A_82 : memref<!tpu.dma_semaphore, #tpu.memory_space<semaphore_mem>>) src(%dma_wait3A_74 : memref<16x256xf32, #tpu.memory_space<vmem>>) dst(%dma_wait3A_80 : memref<131072x256xf32, #tpu.memory_space<hbm>>)
      } else {
      }
    } else {
    }
    return
  }
}

#map = affine_map<(d0, d1) -> (0, 0, 0)>
#map1 = affine_map<(d0, d1) -> (0)>
#map2 = affine_map<(d0, d1) -> (0, 0)>
module attributes {stable_mosaic.version = 14 : i64} {
  func.func @body(%arg0: i32, %arg1: i32, %arg2: memref<32x256x16xi32, #tpu.memory_space<hbm>>, %arg3: memref<80xi32, #tpu.memory_space<hbm>>, %arg4: memref<32x257x16xi32, #tpu.memory_space<hbm>>, %arg5: memref<32x16xi32, #tpu.memory_space<hbm>>, %arg6: memref<256x16xi32, #tpu.memory_space<vmem>>, %arg7: memref<80xi32, #tpu.memory_space<vmem>>, %arg8: memref<4112xi32, #tpu.memory_space<vmem>>, %arg9: memref<257x16xi32, #tpu.memory_space<vmem>>, %arg10: memref<16xi32, #tpu.memory_space<vmem>>) attributes {dimension_semantics = [#tpu.dimension_semantics<core_parallel>, #tpu.dimension_semantics<subcore_parallel>], iteration_bounds = array<i64: 2, 16>, scalar_prefetch = 0 : i64, scratch_operands = 5 : i64, tpu.core_type = #tpu.core_type<sc_vector_subcore>, window_params = [{transform_indices = #map}, {transform_indices = #map1}, {transform_indices = #map}, {transform_indices = #map2}]} {
    %mul3A = arith.constant 2 : i32
    %mul3A_0 = arith.muli %arg1, %mul3A : i32
    %add3A = arith.addi %mul3A_0, %arg0 : i32
    "tpu.region"() ({
      %run_scoped3A = tpu.sem_alloc : memref<!tpu.dma_semaphore, #tpu.memory_space<semaphore_mem>>
      %dma_start3A = arith.constant 0 : i32
      %dma_start3A_15 = arith.constant 0 : i32
      %dma_start3A_16 = tpu.memref_slice %arg2[%add3A, %dma_start3A, %dma_start3A_15] : memref<32x256x16xi32, #tpu.memory_space<hbm>> -> memref<1x256x16xi32, #tpu.memory_space<hbm>>
      %dma_start3A_17 = tpu.memref_squeeze %dma_start3A_16 : memref<1x256x16xi32, #tpu.memory_space<hbm>> -> memref<256x16xi32, #tpu.memory_space<hbm>>
      %dma_start3A_18 = arith.constant 0 : i32
      %dma_start3A_19 = arith.constant 0 : i32
      %dma_start3A_20 = tpu.memref_slice %arg2[%add3A, %dma_start3A_18, %dma_start3A_19] : memref<32x256x16xi32, #tpu.memory_space<hbm>> -> memref<1x256x16xi32, #tpu.memory_space<hbm>>
      %dma_start3A_21 = tpu.memref_squeeze %dma_start3A_20 : memref<1x256x16xi32, #tpu.memory_space<hbm>> -> memref<256x16xi32, #tpu.memory_space<hbm>>
      tpu.enqueue_dma source(%dma_start3A_21 : memref<256x16xi32, #tpu.memory_space<hbm>>) target(%arg6 : memref<256x16xi32, #tpu.memory_space<vmem>>) target_semaphore(%run_scoped3A : memref<!tpu.dma_semaphore, #tpu.memory_space<semaphore_mem>>)
      %dma_wait3A = arith.constant 0 : i32
      %dma_wait3A_22 = arith.constant 0 : i32
      %dma_wait3A_23 = tpu.memref_slice %arg2[%add3A, %dma_wait3A, %dma_wait3A_22] : memref<32x256x16xi32, #tpu.memory_space<hbm>> -> memref<1x256x16xi32, #tpu.memory_space<hbm>>
      %dma_wait3A_24 = tpu.memref_squeeze %dma_wait3A_23 : memref<1x256x16xi32, #tpu.memory_space<hbm>> -> memref<256x16xi32, #tpu.memory_space<hbm>>
      %dma_wait3A_25 = arith.constant 0 : i32
      %dma_wait3A_26 = arith.constant 0 : i32
      %dma_wait3A_27 = tpu.memref_slice %arg2[%add3A, %dma_wait3A_25, %dma_wait3A_26] : memref<32x256x16xi32, #tpu.memory_space<hbm>> -> memref<1x256x16xi32, #tpu.memory_space<hbm>>
      %dma_wait3A_28 = tpu.memref_squeeze %dma_wait3A_27 : memref<1x256x16xi32, #tpu.memory_space<hbm>> -> memref<256x16xi32, #tpu.memory_space<hbm>>
      tpu.wait_dma2 semaphore(%run_scoped3A : memref<!tpu.dma_semaphore, #tpu.memory_space<semaphore_mem>>) src(%dma_wait3A_28 : memref<256x16xi32, #tpu.memory_space<hbm>>) dst(%arg6 : memref<256x16xi32, #tpu.memory_space<vmem>>)
      tpu.yield
    }) : () -> ()
    "tpu.region"() ({
      %run_scoped3A = tpu.sem_alloc : memref<!tpu.dma_semaphore, #tpu.memory_space<semaphore_mem>>
      tpu.enqueue_dma source(%arg3 : memref<80xi32, #tpu.memory_space<hbm>>) target(%arg7 : memref<80xi32, #tpu.memory_space<vmem>>) target_semaphore(%run_scoped3A : memref<!tpu.dma_semaphore, #tpu.memory_space<semaphore_mem>>)
      tpu.wait_dma2 semaphore(%run_scoped3A : memref<!tpu.dma_semaphore, #tpu.memory_space<semaphore_mem>>) src(%arg3 : memref<80xi32, #tpu.memory_space<hbm>>) dst(%arg7 : memref<80xi32, #tpu.memory_space<vmem>>)
      tpu.yield
    }) : () -> ()
    %mul3A_1 = arith.constant 4096 : i32
    %mul3A_2 = arith.muli %add3A, %mul3A_1 : i32
    %iota3A = tpu.iota {dimensions = array<i32: 0>} : vector<16xi32>
    %scan3A = arith.constant 0 : i32
    %scan3A_3 = arith.constant 0 : i32
    %scan3A_4 = arith.constant 64 : i32
    %scan3A_5 = arith.addi %scan3A_3, %scan3A_4 : i32
    %scan3A_6 = arith.constant 1 : i32
    %scan3A_7 = scf.for %scan3A_15 = %scan3A_3 to %scan3A_5 step %scan3A_6 iter_args(%scan3A_16 = %scan3A) -> (i32)  : i32 {
      %mul3A_17 = arith.constant 4 : i32
      %mul3A_18 = arith.muli %scan3A_15, %mul3A_17 : i32
      %add3A_19 = arith.constant 0 : i32
      %add3A_20 = arith.addi %mul3A_18, %add3A_19 : i32
      %get3A = arith.index_cast %add3A_20 : i32 to index
      %get3A_21 = arith.constant 0 : index
      %get3A_22 = tpu.vector_load %arg6[%get3A, %get3A_21] {strides = array<i32>} : memref<256x16xi32, #tpu.memory_space<vmem>>, vector<16xi32>,
      %gather3A = tpu.vector_load_idx %arg7[%get3A_22] : memref<80xi32, #tpu.memory_space<vmem>>[vector<16xi32>], vector<16xi32>,
      %eq3A = arith.constant 0 : i32
      %eq3A_23 = vector.broadcast %eq3A : i32 to vector<16xi32>
      %eq3A_24 = arith.cmpi eq, %gather3A, %eq3A_23 : vector<16xi32>
      %mul3A_25 = arith.constant 16 : i32
      %mul3A_26 = arith.muli %add3A_20, %mul3A_25 : i32
      %add3A_27 = arith.addi %mul3A_2, %mul3A_26 : i32
      %broadcast_in_dim3A_28 = vector.broadcast %add3A_27 : i32 to vector<16xi32>
      %add3A_29 = arith.addi %broadcast_in_dim3A_28, %iota3A : vector<16xi32>
      %convert_element_type3A_30 = arith.extui %eq3A_24 : vector<16xi1> to vector<16xi32>
      %reduce_sum3A = arith.constant true
      %reduce_sum3A_31 = vector.broadcast %reduce_sum3A : i1 to vector<16xi1>
      %reduce_sum3A_32 = tpu.scan <sum>, %convert_element_type3A_30 masked %reduce_sum3A_31 : vector<16xi32>, vector<16xi1> -> vector<16xi32>
      %reduce_sum3A_33 = vector.extract %reduce_sum3A_32[15] : i32 from vector<16xi32>
      %mul3A_34 = arith.constant 4 : i32
      %mul3A_35 = arith.muli %scan3A_15, %mul3A_34 : i32
      %add3A_36 = arith.constant 1 : i32
      %add3A_37 = arith.addi %mul3A_35, %add3A_36 : i32
      %get3A_38 = arith.index_cast %add3A_37 : i32 to index
      %get3A_39 = arith.constant 0 : index
      %get3A_40 = tpu.vector_load %arg6[%get3A_38, %get3A_39] {strides = array<i32>} : memref<256x16xi32, #tpu.memory_space<vmem>>, vector<16xi32>,
      %gather3A_41 = tpu.vector_load_idx %arg7[%get3A_40] : memref<80xi32, #tpu.memory_space<vmem>>[vector<16xi32>], vector<16xi32>,
      %eq3A_42 = arith.constant 0 : i32
      %eq3A_43 = vector.broadcast %eq3A_42 : i32 to vector<16xi32>
      %eq3A_44 = arith.cmpi eq, %gather3A_41, %eq3A_43 : vector<16xi32>
      %mul3A_45 = arith.constant 16 : i32
      %mul3A_46 = arith.muli %add3A_37, %mul3A_45 : i32
      %add3A_47 = arith.addi %mul3A_2, %mul3A_46 : i32
      %broadcast_in_dim3A_48 = vector.broadcast %add3A_47 : i32 to vector<16xi32>
      %add3A_49 = arith.addi %broadcast_in_dim3A_48, %iota3A : vector<16xi32>
      %convert_element_type3A_50 = arith.extui %eq3A_44 : vector<16xi1> to vector<16xi32>
      %reduce_sum3A_51 = arith.constant true
      %reduce_sum3A_52 = vector.broadcast %reduce_sum3A_51 : i1 to vector<16xi1>
      %reduce_sum3A_53 = tpu.scan <sum>, %convert_element_type3A_50 masked %reduce_sum3A_52 : vector<16xi32>, vector<16xi1> -> vector<16xi32>
      %reduce_sum3A_54 = vector.extract %reduce_sum3A_53[15] : i32 from vector<16xi32>
      %mul3A_55 = arith.constant 4 : i32
      %mul3A_56 = arith.muli %scan3A_15, %mul3A_55 : i32
      %add3A_57 = arith.constant 2 : i32
      %add3A_58 = arith.addi %mul3A_56, %add3A_57 : i32
      %get3A_59 = arith.index_cast %add3A_58 : i32 to index
      %get3A_60 = arith.constant 0 : index
      %get3A_61 = tpu.vector_load %arg6[%get3A_59, %get3A_60] {strides = array<i32>} : memref<256x16xi32, #tpu.memory_space<vmem>>, vector<16xi32>,
      %gather3A_62 = tpu.vector_load_idx %arg7[%get3A_61] : memref<80xi32, #tpu.memory_space<vmem>>[vector<16xi32>], vector<16xi32>,
      %eq3A_63 = arith.constant 0 : i32
      %eq3A_64 = vector.broadcast %eq3A_63 : i32 to vector<16xi32>
      %eq3A_65 = arith.cmpi eq, %gather3A_62, %eq3A_64 : vector<16xi32>
      %mul3A_66 = arith.constant 16 : i32
      %mul3A_67 = arith.muli %add3A_58, %mul3A_66 : i32
      %add3A_68 = arith.addi %mul3A_2, %mul3A_67 : i32
      %broadcast_in_dim3A_69 = vector.broadcast %add3A_68 : i32 to vector<16xi32>
      %add3A_70 = arith.addi %broadcast_in_dim3A_69, %iota3A : vector<16xi32>
      %convert_element_type3A_71 = arith.extui %eq3A_65 : vector<16xi1> to vector<16xi32>
      %reduce_sum3A_72 = arith.constant true
      %reduce_sum3A_73 = vector.broadcast %reduce_sum3A_72 : i1 to vector<16xi1>
      %reduce_sum3A_74 = tpu.scan <sum>, %convert_element_type3A_71 masked %reduce_sum3A_73 : vector<16xi32>, vector<16xi1> -> vector<16xi32>
      %reduce_sum3A_75 = vector.extract %reduce_sum3A_74[15] : i32 from vector<16xi32>
      %mul3A_76 = arith.constant 4 : i32
      %mul3A_77 = arith.muli %scan3A_15, %mul3A_76 : i32
      %add3A_78 = arith.constant 3 : i32
      %add3A_79 = arith.addi %mul3A_77, %add3A_78 : i32
      %get3A_80 = arith.index_cast %add3A_79 : i32 to index
      %get3A_81 = arith.constant 0 : index
      %get3A_82 = tpu.vector_load %arg6[%get3A_80, %get3A_81] {strides = array<i32>} : memref<256x16xi32, #tpu.memory_space<vmem>>, vector<16xi32>,
      %gather3A_83 = tpu.vector_load_idx %arg7[%get3A_82] : memref<80xi32, #tpu.memory_space<vmem>>[vector<16xi32>], vector<16xi32>,
      %eq3A_84 = arith.constant 0 : i32
      %eq3A_85 = vector.broadcast %eq3A_84 : i32 to vector<16xi32>
      %eq3A_86 = arith.cmpi eq, %gather3A_83, %eq3A_85 : vector<16xi32>
      %mul3A_87 = arith.constant 16 : i32
      %mul3A_88 = arith.muli %add3A_79, %mul3A_87 : i32
      %add3A_89 = arith.addi %mul3A_2, %mul3A_88 : i32
      %broadcast_in_dim3A_90 = vector.broadcast %add3A_89 : i32 to vector<16xi32>
      %add3A_91 = arith.addi %broadcast_in_dim3A_90, %iota3A : vector<16xi32>
      %convert_element_type3A_92 = arith.extui %eq3A_86 : vector<16xi1> to vector<16xi32>
      %reduce_sum3A_93 = arith.constant true
      %reduce_sum3A_94 = vector.broadcast %reduce_sum3A_93 : i1 to vector<16xi1>
      %reduce_sum3A_95 = tpu.scan <sum>, %convert_element_type3A_92 masked %reduce_sum3A_94 : vector<16xi32>, vector<16xi1> -> vector<16xi32>
      %reduce_sum3A_96 = vector.extract %reduce_sum3A_95[15] : i32 from vector<16xi32>
      %swap3A_97 = arith.index_cast %scan3A_16 : i32 to index
      %swap3A_98 = tpu.vector_load %arg8[%swap3A_97] masked %eq3A_24 {strides = array<i32>} : memref<4112xi32, #tpu.memory_space<vmem>>, vector<16xi32>, vector<16xi1>
      tpu.vector_store %arg8[%swap3A_97], %add3A_29 masked %eq3A_24 {strides = array<i32>} : memref<4112xi32, #tpu.memory_space<vmem>>, vector<16xi32>, vector<16xi1>
      %add3A_99 = arith.addi %scan3A_16, %reduce_sum3A_33 : i32
      %swap3A_100 = arith.index_cast %add3A_99 : i32 to index
      %swap3A_101 = tpu.vector_load %arg8[%swap3A_100] masked %eq3A_44 {strides = array<i32>} : memref<4112xi32, #tpu.memory_space<vmem>>, vector<16xi32>, vector<16xi1>
      tpu.vector_store %arg8[%swap3A_100], %add3A_49 masked %eq3A_44 {strides = array<i32>} : memref<4112xi32, #tpu.memory_space<vmem>>, vector<16xi32>, vector<16xi1>
      %add3A_102 = arith.addi %add3A_99, %reduce_sum3A_54 : i32
      %swap3A_103 = arith.index_cast %add3A_102 : i32 to index
      %swap3A_104 = tpu.vector_load %arg8[%swap3A_103] masked %eq3A_65 {strides = array<i32>} : memref<4112xi32, #tpu.memory_space<vmem>>, vector<16xi32>, vector<16xi1>
      tpu.vector_store %arg8[%swap3A_103], %add3A_70 masked %eq3A_65 {strides = array<i32>} : memref<4112xi32, #tpu.memory_space<vmem>>, vector<16xi32>, vector<16xi1>
      %add3A_105 = arith.addi %add3A_102, %reduce_sum3A_75 : i32
      %swap3A_106 = arith.index_cast %add3A_105 : i32 to index
      %swap3A_107 = tpu.vector_load %arg8[%swap3A_106] masked %eq3A_86 {strides = array<i32>} : memref<4112xi32, #tpu.memory_space<vmem>>, vector<16xi32>, vector<16xi1>
      tpu.vector_store %arg8[%swap3A_106], %add3A_91 masked %eq3A_86 {strides = array<i32>} : memref<4112xi32, #tpu.memory_space<vmem>>, vector<16xi32>, vector<16xi1>
      %add3A_108 = arith.addi %add3A_105, %reduce_sum3A_96 : i32
      scf.yield %add3A_108 : i32
    }
    %scan3A_8 = arith.constant 64 : i32
    %add3A_9 = arith.constant 15 : i32
    %add3A_10 = arith.addi %scan3A_7, %add3A_9 : i32
    %shift_right_arithmetic3A = arith.constant 4 : i32
    %shift_right_arithmetic3A_11 = arith.shrsi %add3A_10, %shift_right_arithmetic3A : i32
    %broadcast_in_dim3A = vector.broadcast %shift_right_arithmetic3A_11 : i32 to vector<16xi32>
    %swap3A = arith.constant 0 : index
    %swap3A_12 = tpu.vector_load %arg10[%swap3A] {strides = array<i32>} : memref<16xi32, #tpu.memory_space<vmem>>, vector<16xi32>,
    tpu.vector_store %arg10[%swap3A], %broadcast_in_dim3A {strides = array<i32>} : memref<16xi32, #tpu.memory_space<vmem>>, vector<16xi32>,
    "tpu.region"() ({
      %run_scoped3A = tpu.sem_alloc : memref<!tpu.dma_semaphore, #tpu.memory_space<semaphore_mem>>
      %dma_start3A = arith.constant 0 : i32
      %dma_start3A_15 = tpu.memref_slice %arg5[%add3A, %dma_start3A] : memref<32x16xi32, #tpu.memory_space<hbm>> -> memref<1x16xi32, #tpu.memory_space<hbm>>
      %dma_start3A_16 = tpu.memref_squeeze %dma_start3A_15 : memref<1x16xi32, #tpu.memory_space<hbm>> -> memref<16xi32, #tpu.memory_space<hbm>>
      %dma_start3A_17 = arith.constant 0 : i32
      %dma_start3A_18 = tpu.memref_slice %arg5[%add3A, %dma_start3A_17] : memref<32x16xi32, #tpu.memory_space<hbm>> -> memref<1x16xi32, #tpu.memory_space<hbm>>
      %dma_start3A_19 = tpu.memref_squeeze %dma_start3A_18 : memref<1x16xi32, #tpu.memory_space<hbm>> -> memref<16xi32, #tpu.memory_space<hbm>>
      tpu.enqueue_dma source(%arg10 : memref<16xi32, #tpu.memory_space<vmem>>) target(%dma_start3A_19 : memref<16xi32, #tpu.memory_space<hbm>>) target_semaphore(%run_scoped3A : memref<!tpu.dma_semaphore, #tpu.memory_space<semaphore_mem>>)
      %dma_wait3A = arith.constant 0 : i32
      %dma_wait3A_20 = tpu.memref_slice %arg5[%add3A, %dma_wait3A] : memref<32x16xi32, #tpu.memory_space<hbm>> -> memref<1x16xi32, #tpu.memory_space<hbm>>
      %dma_wait3A_21 = tpu.memref_squeeze %dma_wait3A_20 : memref<1x16xi32, #tpu.memory_space<hbm>> -> memref<16xi32, #tpu.memory_space<hbm>>
      %dma_wait3A_22 = arith.constant 0 : i32
      %dma_wait3A_23 = tpu.memref_slice %arg5[%add3A, %dma_wait3A_22] : memref<32x16xi32, #tpu.memory_space<hbm>> -> memref<1x16xi32, #tpu.memory_space<hbm>>
      %dma_wait3A_24 = tpu.memref_squeeze %dma_wait3A_23 : memref<1x16xi32, #tpu.memory_space<hbm>> -> memref<16xi32, #tpu.memory_space<hbm>>
      tpu.wait_dma2 semaphore(%run_scoped3A : memref<!tpu.dma_semaphore, #tpu.memory_space<semaphore_mem>>) src(%arg10 : memref<16xi32, #tpu.memory_space<vmem>>) dst(%dma_wait3A_24 : memref<16xi32, #tpu.memory_space<hbm>>)
      tpu.yield
    }) : () -> ()
    %gt3A = arith.constant 0 : i32
    %gt3A_13 = arith.cmpi sgt, %scan3A_7, %gt3A : i32
    %convert_element_type3A = arith.extui %gt3A_13 : i1 to i32
    %cond3A = arith.constant 0 : i32
    %cond3A_14 = arith.cmpi ne, %convert_element_type3A, %cond3A : i32
    scf.if %cond3A_14 {
      %broadcast_in_dim3A_15 = arith.constant 0 : i32
      %broadcast_in_dim3A_16 = vector.broadcast %broadcast_in_dim3A_15 : i32 to vector<16xi32>
      %gather3A = tpu.vector_load_idx %arg8[%broadcast_in_dim3A_16] : memref<4112xi32, #tpu.memory_space<vmem>>[vector<16xi32>], vector<16xi32>,
      %swap3A_17 = arith.index_cast %scan3A_7 : i32 to index
      %swap3A_18 = tpu.vector_load %arg8[%swap3A_17] {strides = array<i32>} : memref<4112xi32, #tpu.memory_space<vmem>>, vector<16xi32>,
      tpu.vector_store %arg8[%swap3A_17], %gather3A {strides = array<i32>} : memref<4112xi32, #tpu.memory_space<vmem>>, vector<16xi32>,
      %while3A = arith.constant 0 : i32
      %while3A_19 = arith.constant 0 : i32
      %while3A_20 = arith.subi %shift_right_arithmetic3A_11, %while3A : i32
      %while3A_21 = arith.addi %while3A, %while3A_20 : i32
      %while3A_22 = arith.constant 1 : i32
      %while3A_23 = arith.divsi %while3A_20, %while3A_22 : i32
      %while3A_24 = arith.muli %while3A_23, %while3A_22 : i32
      %while3A_25 = arith.addi %while3A, %while3A_24 : i32
      %while3A_26 = arith.constant 1 : i32
      %while3A_27 = scf.for %while3A_30 = %while3A to %while3A_25 step %while3A_26 iter_args(%while3A_31 = %while3A_19) -> (i32)  : i32 {
        %mul3A_32 = arith.constant 16 : i32
        %mul3A_33 = arith.muli %while3A_30, %mul3A_32 : i32
        %get3A = arith.index_cast %mul3A_33 : i32 to index
        %get3A_34 = tpu.vector_load %arg8[%get3A] {strides = array<i32>} : memref<4112xi32, #tpu.memory_space<vmem>>, vector<16xi32>,
        %swap3A_35 = arith.index_cast %while3A_30 : i32 to index
        %swap3A_36 = arith.constant 0 : index
        %swap3A_37 = tpu.vector_load %arg9[%swap3A_35, %swap3A_36] {strides = array<i32>} : memref<257x16xi32, #tpu.memory_space<vmem>>, vector<16xi32>,
        tpu.vector_store %arg9[%swap3A_35, %swap3A_36], %get3A_34 {strides = array<i32>} : memref<257x16xi32, #tpu.memory_space<vmem>>, vector<16xi32>,
        %while3A_38 = arith.constant 0 : i32
        scf.yield %while3A_38 : i32
      }
      %while3A_28 = arith.constant 1 : i32
      %while3A_29 = scf.for %while3A_30 = %while3A_25 to %while3A_21 step %while3A_28 iter_args(%while3A_31 = %while3A_27) -> (i32)  : i32 {
        %mul3A_32 = arith.constant 16 : i32
        %mul3A_33 = arith.muli %while3A_30, %mul3A_32 : i32
        %get3A = arith.index_cast %mul3A_33 : i32 to index
        %get3A_34 = tpu.vector_load %arg8[%get3A] {strides = array<i32>} : memref<4112xi32, #tpu.memory_space<vmem>>, vector<16xi32>,
        %swap3A_35 = arith.index_cast %while3A_30 : i32 to index
        %swap3A_36 = arith.constant 0 : index
        %swap3A_37 = tpu.vector_load %arg9[%swap3A_35, %swap3A_36] {strides = array<i32>} : memref<257x16xi32, #tpu.memory_space<vmem>>, vector<16xi32>,
        tpu.vector_store %arg9[%swap3A_35, %swap3A_36], %get3A_34 {strides = array<i32>} : memref<257x16xi32, #tpu.memory_space<vmem>>, vector<16xi32>,
        %while3A_38 = arith.constant 0 : i32
        scf.yield %while3A_38 : i32
      }
      "tpu.region"() ({
        %run_scoped3A = tpu.sem_alloc : memref<!tpu.dma_semaphore, #tpu.memory_space<semaphore_mem>>
        %dma_start3A = arith.constant 0 : i32
        %dma_start3A_30 = arith.constant 0 : i32
        %dma_start3A_31 = tpu.memref_slice %arg4[%add3A, %dma_start3A, %dma_start3A_30] : memref<32x257x16xi32, #tpu.memory_space<hbm>> -> memref<1x257x16xi32, #tpu.memory_space<hbm>>
        %dma_start3A_32 = tpu.memref_squeeze %dma_start3A_31 : memref<1x257x16xi32, #tpu.memory_space<hbm>> -> memref<257x16xi32, #tpu.memory_space<hbm>>
        %dma_start3A_33 = arith.constant 0 : i32
        %dma_start3A_34 = arith.constant 0 : i32
        %dma_start3A_35 = tpu.memref_slice %arg4[%add3A, %dma_start3A_33, %dma_start3A_34] : memref<32x257x16xi32, #tpu.memory_space<hbm>> -> memref<1x257x16xi32, #tpu.memory_space<hbm>>
        %dma_start3A_36 = tpu.memref_squeeze %dma_start3A_35 : memref<1x257x16xi32, #tpu.memory_space<hbm>> -> memref<257x16xi32, #tpu.memory_space<hbm>>
        tpu.enqueue_dma source(%arg9 : memref<257x16xi32, #tpu.memory_space<vmem>>) target(%dma_start3A_36 : memref<257x16xi32, #tpu.memory_space<hbm>>) target_semaphore(%run_scoped3A : memref<!tpu.dma_semaphore, #tpu.memory_space<semaphore_mem>>)
        %dma_wait3A = arith.constant 0 : i32
        %dma_wait3A_37 = arith.constant 0 : i32
        %dma_wait3A_38 = tpu.memref_slice %arg4[%add3A, %dma_wait3A, %dma_wait3A_37] : memref<32x257x16xi32, #tpu.memory_space<hbm>> -> memref<1x257x16xi32, #tpu.memory_space<hbm>>
        %dma_wait3A_39 = tpu.memref_squeeze %dma_wait3A_38 : memref<1x257x16xi32, #tpu.memory_space<hbm>> -> memref<257x16xi32, #tpu.memory_space<hbm>>
        %dma_wait3A_40 = arith.constant 0 : i32
        %dma_wait3A_41 = arith.constant 0 : i32
        %dma_wait3A_42 = tpu.memref_slice %arg4[%add3A, %dma_wait3A_40, %dma_wait3A_41] : memref<32x257x16xi32, #tpu.memory_space<hbm>> -> memref<1x257x16xi32, #tpu.memory_space<hbm>>
        %dma_wait3A_43 = tpu.memref_squeeze %dma_wait3A_42 : memref<1x257x16xi32, #tpu.memory_space<hbm>> -> memref<257x16xi32, #tpu.memory_space<hbm>>
        tpu.wait_dma2 semaphore(%run_scoped3A : memref<!tpu.dma_semaphore, #tpu.memory_space<semaphore_mem>>) src(%arg9 : memref<257x16xi32, #tpu.memory_space<vmem>>) dst(%dma_wait3A_43 : memref<257x16xi32, #tpu.memory_space<hbm>>)
        tpu.yield
      }) : () -> ()
    } else {
    }
    return
  }
}

module attributes {stable_mosaic.version = 14 : i64} {
  func.func @body(%arg0: i32, %arg1: memref<1x1x8192xi32, #tpu.memory_space<vmem>>, %arg2: memref<128x256xf32, #tpu.memory_space<vmem>>, %arg3: memref<8192x256xf32, #tpu.memory_space<vmem>>) attributes {dimension_semantics = [#tpu.dimension_semantics<arbitrary>], iteration_bounds = array<i64: 16>, scalar_prefetch = 0 : i64, scratch_operands = 0 : i64, tpu.core_type = #tpu.core_type<tc>, window_params = [{transform_indices = @transform_0, window_bounds = array<i64: 1, 1, 8192>}, {pipeline_mode = #tpu.pipeline_mode<synchronous>, transform_indices = @transform_1, window_bounds = array<i64: 128, 256>}, {transform_indices = @transform_2, window_bounds = array<i64: 8192, 256>}]} {
    %get3A = arith.constant 0 : index
    %get3A_0 = arith.constant 0 : index
    %get3A_1 = arith.constant 0 : index
    %get3A_2 = vector.load %arg1[%get3A, %get3A_0, %get3A_1] : memref<1x1x8192xi32, #tpu.memory_space<vmem>>, vector<1x1x8192xi32>
    %get3A_3 = vector.shape_cast %get3A_2 : vector<1x1x8192xi32> to vector<8192xi32>
    %broadcast_in_dim3A = vector.shape_cast %get3A_3 : vector<8192xi32> to vector<8192x1xi32>
    %iota3A = tpu.iota {dimensions = array<i32: 1>} : vector<8192x128xi32>
    %eq3A = vector.broadcast %broadcast_in_dim3A : vector<8192x1xi32> to vector<8192x128xi32>
    %eq3A_4 = arith.cmpi eq, %eq3A, %iota3A : vector<8192x128xi32>
    %convert_element_type3A = arith.extui %eq3A_4 : vector<8192x128xi1> to vector<8192x128xi32>
    %convert_element_type3A_5 = arith.sitofp %convert_element_type3A : vector<8192x128xi32> to vector<8192x128xf32>
    %get3A_6 = arith.constant 0 : index
    %get3A_7 = arith.constant 0 : index
    %get3A_8 = vector.load %arg2[%get3A_6, %get3A_7] : memref<128x256xf32, #tpu.memory_space<vmem>>, vector<128x256xf32>
    %dot_general3A = arith.constant dense<0.000000e+00> : vector<8192x256xf32>
    %dot_general3A_9 = tpu.matmul %convert_element_type3A_5, %get3A_8, %dot_general3A {dimension_numbers = #tpu.dot_dimension_numbers<[1], [0], [0], [1], [0, 0, 1, 1], [], []>, transpose_lhs_hint = false} : vector<8192x128xf32>, vector<128x256xf32>, vector<8192x256xf32> -> vector<8192x256xf32>
    %swap3A = arith.constant 0 : index
    %swap3A_10 = arith.constant 0 : index
    %swap3A_11 = vector.load %arg3[%swap3A, %swap3A_10] : memref<8192x256xf32, #tpu.memory_space<vmem>>, vector<8192x256xf32>
    tpu.vector_store %arg3[%swap3A, %swap3A_10], %dot_general3A_9 {strides = array<i32>} : memref<8192x256xf32, #tpu.memory_space<vmem>>, vector<8192x256xf32>,
    return
  }
  func.func @transform_0(%arg0: i32) -> (i32, i32, i32) {
    %c0_i32 = arith.constant 0 : i32
    %c0_i32_0 = arith.constant 0 : i32
    %c0_i32_1 = arith.constant 0 : i32
    return %arg0, %c0_i32, %c0_i32_0 : i32, i32, i32
  }
  func.func @transform_1(%arg0: i32) -> (i32, i32) {
    %c0_i32 = arith.constant 0 : i32
    %c0_i32_0 = arith.constant 0 : i32
    %c0_i32_1 = arith.constant 0 : i32
    return %c0_i32, %c0_i32_0 : i32, i32
  }
  func.func @transform_2(%arg0: i32) -> (i32, i32) {
    %c0_i32 = arith.constant 0 : i32
    %c0_i32_0 = arith.constant 0 : i32
    return %arg0, %c0_i32 : i32, i32
  }
}

</mosaic_0001>

<sc_bundles>
// kernel: kernel.5.cloned.1.call-start
scs
__scs_entry_jumppad:
0x0: {  	(pc) =	sbr.rel $0x88, $3  }
0x1: {  	(tag) =	ssettag $0x0;
	lr =	simm.s32 $0x1  }
0x2: {  	[smem:$0x3F9D] =	sst lr;
	_ =	strace $0xD0000000  }
0x3: {  	_ = 	snop  }
0x4: {  	_ = 	snop  }
0x5: {  	_ = 	snop  }
0x6: {  	_ = 	snop  }
0x7: {  	_ = 	snop  }
__scs_overlays_trampoline_lowered:
0x8: {  	[smem:$0x3FAC] =	sst s0  }
0x9: {  	[smem:$0x3FAD] =	sst s1  }
0xa: {  	[smem:$0x3FAE] =	sst s2  }
0xb: {  	[smem:$0x3FAF] =	sst s3  }
0xc: {  	[smem:$0x3FB0] =	sst s4  }
0xd: {  	[smem:$0x3FB1] =	sst s5  }
0xe: {  	[smem:$0x3FB2] =	sst s6  }
0xf: {  	[smem:$0x3FB3] =	sst s7  }
0x10: {  	[smem:$0x3FB4] =	sst s8  }
0x11: {  	[smem:$0x3FB5] =	sst s9;
	s0 =	simm.s32 @!p0 $0x0  }
0x12: {  	s1 =	sld [smem:$0x3F9B];
	s0 =	simm.s32 @p0 $0x1  }
0x13: {  	[smem:$0x3FB6] =	sst s0;
	s0 =	simm.s32 @!p1 $0x0  }
0x14: {  	s2 =	sld [smem:$0x3F9A];
	s0 =	simm.s32 @p1 $0x1  }
0x15: {  	[smem:$0x3FB7] =	sst s0;
	s0 =	simm.s32 @!p2 $0x0  }
0x16: {  	s3 =	sld [smem:$0x3FDB];
	s0 =	simm.s32 @p2 $0x1  }
0x17: {  	s4 =	simm.s32 $0x1BF5;
	[smem:$0x3FB9] =	sst s0  }
0x18: {  	s0 =	sld [smem:$0x3F9C];
	_ =	swait.ge [sflag:s4], $0x0  }
0x19: {  	s7 =	sld [smem:$0x3F9D]  }
0x1a: {  	s8 =	sadd.s32 $0xFFFFE003, lr  }
0x1b: {  	s9 =	sadd.s32 $0xFFFFFEF7, lr;
	s5 =	simm.s32 $0xFFFFFFFF;
	p2 =	slt.u32 s8, $0xFFFFF086  }
0x1c: {  	p1 =	slt.u32 s9, $0xF7A;
	s5 =	simm.s32 @!p2 $0x0  }
0x1d: {  	s5 =	simm.s32 @p1 $0x1;
	p0 =	seq.s32 s7, s2  }
0x1e: {  	s7 =	smul.u32 @!p0 $0xF7A, s2;
	p2 =	seq.s32 @!p0 s5, $0x0  }
0x1f: {  	s9 =	smul.u32 $0xF7A, s1;
	s8 =	simm.s32 @!p0 $0x1BF5;
	p2 =	por !p2, p0  }
0x20: {  	[sflag:s8] =	ssyncset.s32 @!p0 $0xFFFFF086;
	s6 =	sadd.s32 @!p0 s3, s7;
	s7 =	simm.s32 @!p0 $0x108  }
0x21: {  	s3 =	sadd.s32 s3, s9;
	s6 =	sadd.s32 @!p0 $0x88, s6;
	s7 =	simm.s32 @p2 $0x1082  }
0x22: {  	[simem:s7], [sflag:s8] =	dma.local @!p0 [hbm:s6], $0xF7A  }
0x23: {  	s9 =	sor.u32 $0xD0000000, s2;
	s6 =	simm.s32 $0x108;
	_ =	swait.ge @!p0 [sflag:s8], $0x0  }
0x24: {  	s3 =	sadd.s32 $0x88, s3;
	s6 =	simm.s32 @!p1 $0x1082;
	[sflag:s4] =	ssyncset.s32 $0xFFFFF086  }
0x25: {  	[simem:s6], [sflag:s4] =	dma.local [hbm:s3], $0xF7A  }
0x26: {  	[smem:$0x3F9D] =	sst s1;
	(tag) =	ssettag s2;
	_ =	strace s9  }
0x27: {  	s1 =	sld [smem:$0x3FAD]  }
0x28: {  	s2 =	sld [smem:$0x3FAE]  }
0x29: {  	s4 =	sld [smem:$0x3FB0]  }
0x2a: {  	p0 =	seq.s32 s5, $0x0;
	s5 =	sld [smem:$0x3FB1]  }
0x2b: {  	s6 =	sld [smem:$0x3FB2]  }
0x2c: {  	s7 =	sld [smem:$0x3FB3]  }
0x2d: {  	s3 =	simm.s32 $0x108;
	s8 =	sld [smem:$0x3FB4]  }
0x2e: {  	s3 =	simm.s32 @!p0 $0x1082;
	s9 =	sld [smem:$0x3FB5]  }
0x2f: {  	lr =	sadd.s32 s0, s3;
	s0 =	sld [smem:$0x3FAC]  }
0x30: {  	s3 =	sld [smem:$0x3FAF]  }
0x31: {  	[smem:$0x3FB8] =	sst s10  }
0x32: {  	s10 =	sld [smem:$0x3FB6];
	_ =	sdelay $0x3  }
0x33: {  	p0 =	seq.s32 s10, $0x1;
	s10 =	sld [smem:$0x3FB8];
	_ =	sdelay $0x3  }
0x34: {  	[smem:$0x3FB8] =	sst s10  }
0x35: {  	s10 =	sld [smem:$0x3FB7];
	_ =	sdelay $0x3  }
0x36: {  	p1 =	seq.s32 s10, $0x1;
	s10 =	sld [smem:$0x3FB8];
	_ =	sdelay $0x3  }
0x37: {  	[smem:$0x3FB8] =	sst s10  }
0x38: {  	s10 =	sld [smem:$0x3FB9]  }
0x39: {  	_ = 	snop;
	(pc) =	sbr.ind lr, $3  }
0x3a: {  	_ = 	snop  }
0x3b: {  	_ = 	snop  }
0x3c: {  	p2 =	seq.s32 s10, $0x1;
	s10 =	sld [smem:$0x3FB8]  }
0x3d: {  	_ =	shalt  }
0x3e: {  	_ =	shalt  }
0x3f: {  	_ =	shalt  }
0x40: {  	_ =	shalt  }
0x41: {  	_ =	shalt  }
0x42: {  	_ =	shalt  }
0x43: {  	_ =	shalt  }
0x44: {  	_ =	shalt  }
0x45: {  	_ =	shalt  }
0x46: {  	_ =	shalt  }
0x47: {  	_ =	shalt  }
0x48: {  	_ =	shalt  }
0x49: {  	_ =	shalt  }
0x4a: {  	_ =	shalt  }
0x4b: {  	_ =	shalt  }
0x4c: {  	_ =	shalt  }
0x4d: {  	_ =	shalt  }
0x4e: {  	_ =	shalt  }
0x4f: {  	_ =	shalt  }
0x50: {  	_ =	shalt  }
0x51: {  	_ =	shalt  }
0x52: {  	_ =	shalt  }
0x53: {  	_ =	shalt  }
0x54: {  	_ =	shalt  }
0x55: {  	_ =	shalt  }
0x56: {  	_ =	shalt  }
0x57: {  	_ =	shalt  }
0x58: {  	_ =	shalt  }
0x59: {  	_ =	shalt  }
0x5a: {  	_ =	shalt  }
0x5b: {  	_ =	shalt  }
0x5c: {  	_ =	shalt  }
0x5d: {  	_ =	shalt  }
0x5e: {  	_ =	shalt  }
0x5f: {  	_ =	shalt  }
0x60: {  	_ =	shalt  }
0x61: {  	_ =	shalt  }
0x62: {  	_ =	shalt  }
0x63: {  	_ =	shalt  }
0x64: {  	_ =	shalt  }
0x65: {  	_ =	shalt  }
0x66: {  	_ =	shalt  }
0x67: {  	_ =	shalt  }
0x68: {  	_ =	shalt  }
0x69: {  	_ =	shalt  }
0x6a: {  	_ =	shalt  }
0x6b: {  	_ =	shalt  }
0x6c: {  	_ =	shalt  }
0x6d: {  	_ =	shalt  }
0x6e: {  	_ =	shalt  }
0x6f: {  	_ =	shalt  }
0x70: {  	_ =	shalt  }
0x71: {  	_ =	shalt  }
0x72: {  	_ =	shalt  }
0x73: {  	_ =	shalt  }
0x74: {  	_ =	shalt  }
0x75: {  	_ =	shalt  }
0x76: {  	_ =	shalt  }
0x77: {  	_ =	shalt  }
0x78: {  	_ =	shalt  }
0x79: {  	_ =	shalt  }
0x7a: {  	_ =	shalt  }
0x7b: {  	_ =	shalt  }
0x7c: {  	_ =	shalt  }
0x7d: {  	_ =	shalt  }
0x7e: {  	_ =	shalt  }
0x7f: {  	_ =	shalt  }
0x80: {  	_ =	shalt  }
0x81: {  	_ =	shalt  }
0x82: {  	_ =	shalt  }
0x83: {  	_ =	shalt  }
0x84: {  	_ =	shalt  }
0x85: {  	_ =	shalt  }
0x86: {  	_ =	shalt  }
0x87: {  	_ =	shalt  }
.Lfunc_end0:
.L_simem_size_0:
called_computation_lowered:
.L_overlay_start_0:
0x88: {  	s2 =	sld [smem:$0x3FD9]  }
0x89: {  	s3 =	sld [smem:$0x3FFE];
	_ =	sdelay $0x1  }
0x8a: {  	s1 =	srdreg.scid  }
0x8b: {  	s0 =	sand.u32 $0x1, s1  }
0x8c: {  	s17 =	sshll.u32 s0, $0xA;
	s2 =	sadd.s32 s3, s2  }
0x8d: {  	s2 =	sadd.s32 s2, s17  }
0x8e: {  	[smem:$0x3FC4] =	sst s2  }
0x8f: {  	_ = 	snop  }
0x90: {  	s2 =	sld [smem:$0x3FC6];
	(tm) =	ssettm $0x1  }
0x91: {  	s18 =	sld [smem:$0x3FFB];
	_ =	sdelay $0x3  }
0x92: {  	_ =	strace s18  }
0x93: {  	s3 =	sld [smem:$0x3FFC];
	_ =	sdelay $0x3  }
0x94: {  	_ =	strace s3  }
0x95: {  	s3 =	sld [smem:$0x3FFD];
	_ =	sdelay $0x3  }
0x96: {  	_ =	strace s3  }
0x97: {  	_ =	strace $0x8FFFFFFF  }
0x98: {  	s19 =	sld [smem:$0x3FDB];
	_ =	sdelay $0x1  }
0x99: {  	s4 =	simm.s32 $_scs_section_size  }
0x9a: {  	s5 =	simm.s32 $_size__tile_overlayer_lowered;
	s6 =	simm.s32 $_tile_overlayer_lowered  }
0x9b: {  	s22 =	simm.s32 $0x1BFF;
	s21 =	sshll.u32 s6, $0x1;
	s3 =	sadd.s32 s4, s19  }
0x9c: {  	s7 =	simm.s32 $0x0;
	s20 =	sshll.u32 s5, $0x1;
	s5 =	sadd.s32 s21, s3  }
0x9d: {  	[timem:s7], [sflag:s22] =	dma.local [hbm:s5], s20  }
0x9e: {  	_ =	swait.ge [sflag:s22], s20  }
0x9f: {  	s4 =	ssub.s32 $0x0, s20;
	[sflag:s22] =	ssyncset.done $0x0  }
0xa0: {  	[sflag:s22] =	ssyncadd.s32 s4;
	_ =	sdelay $0x1  }
0xa1: {  	s23 =	simm.s32 $0x1B8B  }
0xa2: {  	_ =	swait.ge [sflag:s23], $0x1  }
0xa3: {  	[sflag:s23] =	ssyncset.done $0x0  }
0xa4: {  	s25 =	simm.s32 $0x1B8E;
	s24 =	sld [smem:$0x3FFE];
	[sflag:s23] =	ssyncadd.s32 $0xFFFFFFFF  }
0xa5: {  	s26 =	simm.s32 $execute0_lowered;
	[smem:$0x3FD2] =	sst s25  }
0xa6: {  	s5 =	sshll.u32 s26, $0x1;
	_ =	strace $0x80000046;
	[dreg:$0x1] =	wrdreg $0xFFFFFFFF  }
0xa7: {  	s28 =	simm.s32 $_size_execute0_lowered;
	s3 =	sadd.s32 s3, s5;
	[dreg:$0x0] =	wrdreg $0x0  }
0xa8: {  	s5 =	sshll.u32 s28, $0x1;
	[dreg:$0x2] =	wrdreg s3  }
0xa9: {  	[dreg:$0x3] =	wrdreg s5  }
0xaa: {  	[dreg:$0x4] =	wrdreg $0xC0  }
0xab: {  	_ =	task [dreg:s7], $0x5FFFF  }
0xac: {  	[dreg:$0x1] =	wrdreg $0xFFFFFFFF  }
0xad: {  	[dreg:$0x0] =	wrdreg $0x60  }
0xae: {  	[dreg:$0x2] =	wrdreg s24  }
0xaf: {  	[dreg:$0x3] =	wrdreg s2  }
0xb0: {  	[dreg:$0x4] =	wrdreg $0x9  }
0xb1: {  	_ =	task.clear_ibuf [dreg:s7], $0x5FFFF;
	_ =	strace $0x90000046  }
0xb2: {  	s29 =	simm.s32 $0x9;
	_ =	strace $0x80000048  }
0xb3: {  	_ =	swait.ge [sflag:s29], $0x1  }
0xb4: {  	[sflag:s29] =	ssyncadd.s32 $0xFFFFFFFF  }
0xb5: {  	_ =	strace $0x90000048  }
0xb6: {  	_ =	sfence  }
0xb7: {  	s30 =	sld [smem:$0x0];
	_ =	sdelay $0x2  }
0xb8: {  	s31 =	sshll.u32 s1, $0xD;
	s1 =	sshrl.u32 s1, $0x2  }
0xb9: {  	s3 =	sand.u32 $0x4000, s31;
	s1 =	sadd.s32 s1, s30  }
0xba: {  	s0 =	sor.u32 s3, s0;
	s1 =	sshll.u32 s1, $0x11  }
0xbb: {  	s0 =	sor.u32 s1, s0  }
0xbc: {  	s0 =	sadd.s32 $0x8F2B, s0  }
0xbd: {  	[sflag:s0] =	ssyncadd.remote.s32 $0x1  }
0xbe: {  	_ =	sfence.sel $0xFFFF  }
0xbf: {  	[dreg:$0x0] =	wrdreg $0xFFFFFFFF;
	(pc) =	sbr.abs _section_cstart, $3  }
0xc0: {  	[dreg:$0x1] =	wrdreg $0xFFFFFFFF  }
0xc1: {  	_ =	task.clear_ibuf [dreg:s7], $0x2FFFF;
	_ =	strace $0x9FFFFFFF  }
0xc2: {  	(tm) =	ssettm $0x7FFFFFFF  }
0xc3: {  	_ =	shalt  }
tec
execute0_lowered:
.L_overlay_start_1:
0x0: {  	(tag) =	ssettag $0x1  }
0x1: {  	s4 =	rddreg [dreg:$0x0]  }
0x2: {  	s2 =	rddreg [dreg:$0x1]  }
0x3: {  	s0 =	rddreg [dreg:$0x2]  }
0x4: {  	s3 =	simm.s32 $0x0;
	s5 =	srdreg.scid;
	s1 =	stileid.u32  }
0x5: {  	s11 =	simm.s32 $0x11500;
	s12 =	simm.s32 $0x9100;
	s13 =	simm.s32 $0x0  }
0x6: {  	[smem:$0x7FF] =	sst s3;
	s8 =	sand.u32 $0x1, s5;
	s30 =	sshll.u32 s1, $0x1  }
0x7: {  	s31 =	sshll.u32 s1, $0xD;
	_ =	strace $0x80000047;
	s5 =	sor.u32 s8, s30  }
0x8: {  	s9 =	ssub.s32 $0x2, s8;
	s8 =	sshll.u32 s8, $0xC;
	s7 =	smul.u32 $0x1080, s5  }
.Ltmp0:
0x9: {  	s6 =	sshll.u32 s5, $0xC;
	s5 =	sshll.u32 s5, $0x4;
	(pc) =	sbr.rel .LBB2_1-.Ltmp0, $4  }
0xa: {  	s10 =	sshrl.u32 s9, $0x1;
	s8 =	sor.u32 s8, s31;
	s6 =	sadd.s32 s6, s4  }
0xb: {  	s5 =	sadd.s32 s5, s4;
	s9 =	ssub.s32 s9, s10;
	s10 =	simm.s32 $0x8000  }
0xc: {  	s7 =	sadd.s32 s7, s4;
	s4 =	sadd.s32 $0xE00, s6;
	s5 =	sadd.s32 $0x41E00, s5  }
0xd: {  	v0 =	vlaneseq.u32;
	v1 =	vimm.s32 $0x0;
	s6 =	sadd.s32 $0x20E00, s7;
	s7 =	smax.u32 s9, $0x1;
	s9 =	simm.s32 $0x1  }
.LBB2_7:
0xe: {  	[hbm4b:s6+s3] =	stream.linear.scatter [tilespmem:s12], [sflag:$0x1], $0x8080, $0x38;
	[tilespmem:$0x11580] =	vst v63  }
0xf: {  	_ =	swait.ge [sflag:s9], $0x8080  }
0x10: {  	[sflag:s9] =	ssyncset.done $0x0  }
0x11: {  	[sflag:s9] =	ssyncadd.s32 $0xFFFF7F80  }
.LBB2_8:
0x12: {  	s13 =	sadd.s32 $0x1, s13  }
0x13: {  	p0 =	sne.s32 s13, s7  }
.Ltmp1:
0x14: {  	_ = 	snop;
	(pc) =	sbr.rel @!p0 .LBB2_9-.Ltmp1, $1  }
0x15: {  	_ =	sdelay $0x3  }
.LBB2_1:
0x16: {  	[tilespmem:s3], [sflag:$0x1] =	stream.linear.gather [hbm4b:s4+s3], $0x8000, $0x38;
	[tilespmem:$0x11580] =	vst v63  }
0x17: {  	_ =	swait.ge [sflag:s9], $0x8000  }
0x18: {  	[sflag:s9] =	ssyncset.done $0x0  }
0x19: {  	[sflag:s9] =	ssyncadd.s32 $0xFFFF8000  }
0x1a: {  	[tilespmem:s10], [sflag:$0x1] =	stream.linear.gather [hbm4b:s2+s3], $0x80, $0x38;
	[tilespmem:$0x11580] =	vst v63  }
0x1b: {  	_ =	swait.ge [sflag:s9], $0x80  }
0x1c: {  	[sflag:s9] =	ssyncset.done $0x0  }
0x1d: {  	s14 =	simm.s32 $0x100;
	[sflag:s9] =	ssyncadd.s32 $0xFFFFFF80  }
0x1e: {  	v2 =	vld [tilespmem:s14+$0xFFFFFF00]  }
0x1f: {  	v3 =	vld [tilespmem:s14+$0xFFFFFF80]  }
0x20: {  	v4 =	vld [tilespmem:s14+$0x0]  }
0x21: {  	v5 =	vld [tilespmem:s14+$0x80];
	_ =	sdelay $0x4  }
0x22: {  	v2 =	vld.idx.msk [tilespmem:v2+s10+$0x0], $0xffff  }
0x23: {  	v3 =	vld.idx.msk [tilespmem:v3+s10+$0x0], $0xffff  }
0x24: {  	v4 =	vld.idx.msk [tilespmem:v4+s10+$0x0], $0xffff  }
0x25: {  	v5 =	vld.idx.msk [tilespmem:v5+s10+$0x0], $0xffff;
	_ =	sdelay $0x1  }
0x26: {  	vm1 =	veq.s32 v2, $0x0  }
0x27: {  	vm2 =	veq.s32 v3, $0x0;
	v2 =	vsel vm1, $0x1, v1  }
0x28: {  	vm3 =	veq.s32 v4, $0x0;
	v3 =	vsel vm2, $0x1, v1;
	(xrf0) =	vadd.scan.msk.s32 $0xffff, v2  }
0x29: {  	vm0 =	veq.s32 v5, $0x0;
	v2 =	vsel vm3, $0x1, v1;
	(xrf0) =	vadd.scan.msk.s32 $0xffff, v3  }
0x2a: {  	v3 =	vsel vm0, $0x1, v1;
	(xrf0) =	vadd.scan.msk.s32 $0xffff, v2  }
0x2b: {  	(xrf0) =	vadd.scan.msk.s32 $0xffff, v3;
	_ =	sdelay $0x2  }
0x2c: {  	v2, _, _ =	vpop (xrf0)  }
0x2d: {  	(v2sf) =	vpush v2, $0xF;
	v2, _, _ =	vpop (xrf0)  }
0x2e: {  	(v2sf) =	vpush v2, $0xF;
	v2, _, _ =	vpop (xrf0)  }
0x2f: {  	(v2sf) =	vpush v2, $0xF;
	v2, _, _ =	vpop (xrf0)  }
0x30: {  	(v2sf) =	vpush v2, $0xF;
	_ =	sdelay $0xa  }
0x31: {  	s15 =	sadd.s32 $0x0, s8  }
0x32: {  	s16 =	sadd.s32 $0x10, s15;
	v2 =	vor.u32 s15, v0;
	s17 =	spop (v2sf)  }
0x33: {  	s18 =	sadd.s32 $0x20, s15;
	[tilespmem:s3+$0x8080] =	vst.msk vm1, v2;
	v2 =	vor.u32 s16, v0;
	s29 =	sadd.s32 $0x0, s17;
	s30 =	spop (v2sf)  }
0x34: {  	s19 =	sadd.s32 $0x30, s15;
	v3 =	vor.u32 s18, v0;
	[tilespmem:s29+$0x8080] =	vst.msk vm2, v2;
	s16 =	sadd.s32 s29, s30;
	s31 =	spop (v2sf)  }
0x35: {  	s15 =	simm.s32 $0x40;
	v2 =	vor.u32 s19, v0;
	[tilespmem:s16+$0x8080] =	vst.msk vm3, v3;
	s16 =	sadd.s32 s16, s31;
	s17 =	spop (v2sf)  }
.LBB2_2:
0x36: {  	p0 =	sne.s32 s15, $0xFC0;
	[tilespmem:s16+$0x8080] =	vst.msk vm0, v2;
	s16 =	sadd.s32 s16, s17;
	s14 =	sadd.s32 $0x200, s14  }
0x37: {  	s17 =	smov.u32 s15;
	s15 =	sadd.s32 $0x40, s15;
	v2 =	vld [tilespmem:s14+$0xFFFFFF00]  }
0x38: {  	v3 =	vld [tilespmem:s14+$0xFFFFFF80]  }
0x39: {  	v4 =	vld [tilespmem:s14+$0x0]  }
0x3a: {  	v5 =	vld [tilespmem:s14+$0x80];
	_ =	sdelay $0x4  }
0x3b: {  	v2 =	vld.idx.msk [tilespmem:v2+s10+$0x0], $0xffff  }
0x3c: {  	v3 =	vld.idx.msk [tilespmem:v3+s10+$0x0], $0xffff  }
0x3d: {  	v4 =	vld.idx.msk [tilespmem:v4+s10+$0x0], $0xffff  }
0x3e: {  	v5 =	vld.idx.msk [tilespmem:v5+s10+$0x0], $0xffff;
	_ =	sdelay $0x1  }
0x3f: {  	s17 =	sadd.s32 s17, s8  }
0x40: {  	s18 =	sadd.s32 $0x10, s17;
	s19 =	sadd.s32 $0x20, s17;
	vm0 =	veq.s32 v2, $0x0;
	v2 =	vor.u32 s17, v0;
	s17 =	sadd.s32 $0x30, s17  }
0x41: {  	v6 =	vsel vm0, $0x1, v1;
	vm2 =	veq.s32 v3, $0x0;
	[tilespmem:s16+$0x8080] =	vst.msk vm0, v2  }
0x42: {  	v2 =	vsel vm2, $0x1, v1;
	vm1 =	veq.s32 v4, $0x0;
	(xrf0) =	vadd.scan.msk.s32 $0xffff, v6  }
0x43: {  	v3 =	vsel vm1, $0x1, v1;
	vm0 =	veq.s32 v5, $0x0;
	(xrf0) =	vadd.scan.msk.s32 $0xffff, v2  }
0x44: {  	v2 =	vsel vm0, $0x1, v1;
	(xrf0) =	vadd.scan.msk.s32 $0xffff, v3  }
0x45: {  	(xrf0) =	vadd.scan.msk.s32 $0xffff, v2;
	_ =	sdelay $0x2  }
0x46: {  	v2, _, _ =	vpop (xrf0)  }
0x47: {  	(v2sf) =	vpush v2, $0xF;
	v2, _, _ =	vpop (xrf0)  }
0x48: {  	(v2sf) =	vpush v2, $0xF;
	v2, _, _ =	vpop (xrf0)  }
0x49: {  	(v2sf) =	vpush v2, $0xF;
	v2, _, _ =	vpop (xrf0)  }
0x4a: {  	(v2sf) =	vpush v2, $0xF;
	_ =	sdelay $0xa  }
.Ltmp2:
0x4b: {  	(pc) =	sbr.rel @p0 .LBB2_2-.Ltmp2, $4  }
0x4c: {  	s20 =	spop (v2sf)  }
0x4d: {  	v2 =	vor.u32 s18, v0;
	s16 =	sadd.s32 s16, s20;
	s18 =	spop (v2sf)  }
0x4e: {  	v3 =	vor.u32 s19, v0;
	[tilespmem:s16+$0x8080] =	vst.msk vm2, v2;
	s16 =	sadd.s32 s16, s18;
	s18 =	spop (v2sf)  }
0x4f: {  	v2 =	vor.u32 s17, v0;
	[tilespmem:s16+$0x8080] =	vst.msk vm1, v3;
	s16 =	sadd.s32 s16, s18;
	s17 =	spop (v2sf)  }
0x50: {  	s14 =	sadd.s32 s16, s17  }
0x51: {  	s15 =	sadd.s32 $0xF, s14  }
0x52: {  	s15 =	sshra.s32 s15, $0x4  }
0x53: {  	[tilespmem:s16+$0x8080] =	vst.msk vm0, v2;
	p0 =	slt.s32 s14, $0x1;
	v2 =	vmov s15  }
.Ltmp3:
0x54: {  	[tilespmem:$0x11500] =	vst v2;
	(pc) =	sbr.rel @p0 .LBB2_8-.Ltmp3, $4  }
0x55: {  	[hbm4b:s5+s3] =	stream.linear.scatter [tilespmem:s11], [sflag:$0x1], $0x80, $0x38;
	[tilespmem:$0x11580] =	vst v63  }
0x56: {  	_ =	swait.ge [sflag:s9], $0x80  }
0x57: {  	[sflag:s9] =	ssyncset.done $0x0  }
0x58: {  	[sflag:s9] =	ssyncadd.s32 $0xFFFFFF80  }
0x59: {  	s16 =	simm.s32 $0x8080  }
0x5a: {  	p0 =	slt.s32 s15, $0x1;
	v2 =	vld.msk [tilespmem:s16+$0x0], $0xffff  }
.Ltmp4:
0x5b: {  	_ = 	snop;
	(pc) =	sbr.rel @p0 .LBB2_7-.Ltmp4, $2  }
0x5c: {  	_ =	sdelay $0x2  }
0x5d: {  	[tilespmem:s14+$0x8080] =	vst v2;
	s14 =	simm.s32 $0x9100  }
0x5e: {  	v2 =	vld [tilespmem:s16+$0x0];
	p0 =	sne.s32 s15, $0x1  }
.Ltmp5:
0x5f: {  	_ = 	snop;
	(pc) =	sbr.rel @!p0 .LBB2_7-.Ltmp5, $2  }
0x60: {  	_ =	sdelay $0x2  }
0x61: {  	s15 =	sadd.s32 $0xFFFFFFFF, s15;
	s16 =	sadd.s32 $0x10, s16;
	[tilespmem:s14+$0x0] =	vst v2  }
.LBB2_6:
0x62: {  	v2 =	vld [tilespmem:s16+$0x0];
	p0 =	sne.s32 s15, $0x1;
	s15 =	sadd.s32 $0xFFFFFFFF, s15  }
.Ltmp6:
0x63: {  	(pc) =	sbr.rel @p0 .LBB2_6-.Ltmp6, $3  }
0x64: {  	_ =	sdelay $0x1  }
0x65: {  	s14 =	sadd.s32 $0x80, s14  }
0x66: {  	s16 =	sadd.s32 $0x10, s16;
	[tilespmem:s14+$0x0] =	vst v2  }
.Ltmp7:
0x67: {  	_ = 	snop;
	(pc) =	sbr.rel .LBB2_7-.Ltmp7, $1  }
0x68: {  	_ =	sdelay $0x3  }
.LBB2_9:
0x69: {  	_ =	sfence.sel $0x180000  }
0x6a: {  	[bflag:$0x0] =	sbarrier.arrive $0xFFFF  }
0x6b: {  	p0 =	sne.s32 s1, $0x0;
	_ =	strace $0x90000047  }
0x6c: {  	s0 =	sadd.s32 @!p0 $0x100000, s0;
	[bflag:$0x2] =	sbarrier.arrive $0xFFFF  }
0x6d: {  	[sflag:s0] =	ssyncadd.tile.s32 @!p0 $0x1;
	_ =	shalt  }
.Lfunc_end2:
_tile_overlayer_lowered:
.L_overlay_start_2:
0x6e: {  	(tag) =	ssettag $0x2  }
0x6f: {  	s0 =	rddreg [dreg:$0x0];
	s2 =	stileid.u32  }
0x70: {  	s1 =	rddreg [dreg:$0x1];
	p0 =	sne.s32 s2, $0x0  }
0x71: {  	s3 =	rddreg [dreg:$0x2];
	[bflag:$0x3] =	sbarrier.arrive $0xFFFF;
	s2 =	simm.s32 @!p0 $0x1C01  }
0x72: {  	[timem:s3], [sflag:s2] =	dma.local @!p0 [hbm:s0], s1  }
0x73: {  	s0 =	simm.s32 @!p0 $0x1  }
0x74: {  	_ =	swait.ge @!p0 [sflag:s0], s1  }
0x75: {  	s1 =	ssub.s32 @!p0 $0x0, s1;
	[sflag:s0] =	ssyncset.done @!p0 $0x0  }
0x76: {  	[sflag:s0] =	ssyncadd.s32 @!p0 s1  }
0x77: {  	[bflag:$0x3] =	sbarrier.arrive $0xFFFF  }
0x78: {  	_ =	shalt  }

// kernel: kernel.8.cloned.1.call-start
scs
__scs_entry_jumppad:
0x0: {  	(pc) =	sbr.rel $0x88, $3  }
0x1: {  	(tag) =	ssettag $0x0;
	lr =	simm.s32 $0x1  }
0x2: {  	[smem:$0x3F9D] =	sst lr;
	_ =	strace $0xD0000000  }
0x3: {  	_ = 	snop  }
0x4: {  	_ = 	snop  }
0x5: {  	_ = 	snop  }
0x6: {  	_ = 	snop  }
0x7: {  	_ = 	snop  }
__scs_overlays_trampoline_lowered:
0x8: {  	[smem:$0x3FAC] =	sst s0  }
0x9: {  	[smem:$0x3FAD] =	sst s1  }
0xa: {  	[smem:$0x3FAE] =	sst s2  }
0xb: {  	[smem:$0x3FAF] =	sst s3  }
0xc: {  	[smem:$0x3FB0] =	sst s4  }
0xd: {  	[smem:$0x3FB1] =	sst s5  }
0xe: {  	[smem:$0x3FB2] =	sst s6  }
0xf: {  	[smem:$0x3FB3] =	sst s7  }
0x10: {  	[smem:$0x3FB4] =	sst s8  }
0x11: {  	[smem:$0x3FB5] =	sst s9;
	s0 =	simm.s32 @!p0 $0x0  }
0x12: {  	s1 =	sld [smem:$0x3F9B];
	s0 =	simm.s32 @p0 $0x1  }
0x13: {  	[smem:$0x3FB6] =	sst s0;
	s0 =	simm.s32 @!p1 $0x0  }
0x14: {  	s2 =	sld [smem:$0x3F9A];
	s0 =	simm.s32 @p1 $0x1  }
0x15: {  	[smem:$0x3FB7] =	sst s0;
	s0 =	simm.s32 @!p2 $0x0  }
0x16: {  	s3 =	sld [smem:$0x3FDB];
	s0 =	simm.s32 @p2 $0x1  }
0x17: {  	s4 =	simm.s32 $0x1BF5;
	[smem:$0x3FB9] =	sst s0  }
0x18: {  	s0 =	sld [smem:$0x3F9C];
	_ =	swait.ge [sflag:s4], $0x0  }
0x19: {  	s7 =	sld [smem:$0x3F9D]  }
0x1a: {  	s8 =	sadd.s32 $0xFFFFE003, lr  }
0x1b: {  	s9 =	sadd.s32 $0xFFFFFEF7, lr;
	s5 =	simm.s32 $0xFFFFFFFF;
	p2 =	slt.u32 s8, $0xFFFFF086  }
0x1c: {  	p1 =	slt.u32 s9, $0xF7A;
	s5 =	simm.s32 @!p2 $0x0  }
0x1d: {  	s5 =	simm.s32 @p1 $0x1;
	p0 =	seq.s32 s7, s2  }
0x1e: {  	s7 =	smul.u32 @!p0 $0xF7A, s2;
	p2 =	seq.s32 @!p0 s5, $0x0  }
0x1f: {  	s9 =	smul.u32 $0xF7A, s1;
	s8 =	simm.s32 @!p0 $0x1BF5;
	p2 =	por !p2, p0  }
0x20: {  	[sflag:s8] =	ssyncset.s32 @!p0 $0xFFFFF086;
	s6 =	sadd.s32 @!p0 s3, s7;
	s7 =	simm.s32 @!p0 $0x108  }
0x21: {  	s3 =	sadd.s32 s3, s9;
	s6 =	sadd.s32 @!p0 $0x88, s6;
	s7 =	simm.s32 @p2 $0x1082  }
0x22: {  	[simem:s7], [sflag:s8] =	dma.local @!p0 [hbm:s6], $0xF7A  }
0x23: {  	s9 =	sor.u32 $0xD0000000, s2;
	s6 =	simm.s32 $0x108;
	_ =	swait.ge @!p0 [sflag:s8], $0x0  }
0x24: {  	s3 =	sadd.s32 $0x88, s3;
	s6 =	simm.s32 @!p1 $0x1082;
	[sflag:s4] =	ssyncset.s32 $0xFFFFF086  }
0x25: {  	[simem:s6], [sflag:s4] =	dma.local [hbm:s3], $0xF7A  }
0x26: {  	[smem:$0x3F9D] =	sst s1;
	(tag) =	ssettag s2;
	_ =	strace s9  }
0x27: {  	s1 =	sld [smem:$0x3FAD]  }
0x28: {  	s2 =	sld [smem:$0x3FAE]  }
0x29: {  	s4 =	sld [smem:$0x3FB0]  }
0x2a: {  	p0 =	seq.s32 s5, $0x0;
	s5 =	sld [smem:$0x3FB1]  }
0x2b: {  	s6 =	sld [smem:$0x3FB2]  }
0x2c: {  	s7 =	sld [smem:$0x3FB3]  }
0x2d: {  	s3 =	simm.s32 $0x108;
	s8 =	sld [smem:$0x3FB4]  }
0x2e: {  	s3 =	simm.s32 @!p0 $0x1082;
	s9 =	sld [smem:$0x3FB5]  }
0x2f: {  	lr =	sadd.s32 s0, s3;
	s0 =	sld [smem:$0x3FAC]  }
0x30: {  	s3 =	sld [smem:$0x3FAF]  }
0x31: {  	[smem:$0x3FB8] =	sst s10  }
0x32: {  	s10 =	sld [smem:$0x3FB6];
	_ =	sdelay $0x3  }
0x33: {  	p0 =	seq.s32 s10, $0x1;
	s10 =	sld [smem:$0x3FB8];
	_ =	sdelay $0x3  }
0x34: {  	[smem:$0x3FB8] =	sst s10  }
0x35: {  	s10 =	sld [smem:$0x3FB7];
	_ =	sdelay $0x3  }
0x36: {  	p1 =	seq.s32 s10, $0x1;
	s10 =	sld [smem:$0x3FB8];
	_ =	sdelay $0x3  }
0x37: {  	[smem:$0x3FB8] =	sst s10  }
0x38: {  	s10 =	sld [smem:$0x3FB9]  }
0x39: {  	_ = 	snop;
	(pc) =	sbr.ind lr, $3  }
0x3a: {  	_ = 	snop  }
0x3b: {  	_ = 	snop  }
0x3c: {  	p2 =	seq.s32 s10, $0x1;
	s10 =	sld [smem:$0x3FB8]  }
0x3d: {  	_ =	shalt  }
0x3e: {  	_ =	shalt  }
0x3f: {  	_ =	shalt  }
0x40: {  	_ =	shalt  }
0x41: {  	_ =	shalt  }
0x42: {  	_ =	shalt  }
0x43: {  	_ =	shalt  }
0x44: {  	_ =	shalt  }
0x45: {  	_ =	shalt  }
0x46: {  	_ =	shalt  }
0x47: {  	_ =	shalt  }
0x48: {  	_ =	shalt  }
0x49: {  	_ =	shalt  }
0x4a: {  	_ =	shalt  }
0x4b: {  	_ =	shalt  }
0x4c: {  	_ =	shalt  }
0x4d: {  	_ =	shalt  }
0x4e: {  	_ =	shalt  }
0x4f: {  	_ =	shalt  }
0x50: {  	_ =	shalt  }
0x51: {  	_ =	shalt  }
0x52: {  	_ =	shalt  }
0x53: {  	_ =	shalt  }
0x54: {  	_ =	shalt  }
0x55: {  	_ =	shalt  }
0x56: {  	_ =	shalt  }
0x57: {  	_ =	shalt  }
0x58: {  	_ =	shalt  }
0x59: {  	_ =	shalt  }
0x5a: {  	_ =	shalt  }
0x5b: {  	_ =	shalt  }
0x5c: {  	_ =	shalt  }
0x5d: {  	_ =	shalt  }
0x5e: {  	_ =	shalt  }
0x5f: {  	_ =	shalt  }
0x60: {  	_ =	shalt  }
0x61: {  	_ =	shalt  }
0x62: {  	_ =	shalt  }
0x63: {  	_ =	shalt  }
0x64: {  	_ =	shalt  }
0x65: {  	_ =	shalt  }
0x66: {  	_ =	shalt  }
0x67: {  	_ =	shalt  }
0x68: {  	_ =	shalt  }
0x69: {  	_ =	shalt  }
0x6a: {  	_ =	shalt  }
0x6b: {  	_ =	shalt  }
0x6c: {  	_ =	shalt  }
0x6d: {  	_ =	shalt  }
0x6e: {  	_ =	shalt  }
0x6f: {  	_ =	shalt  }
0x70: {  	_ =	shalt  }
0x71: {  	_ =	shalt  }
0x72: {  	_ =	shalt  }
0x73: {  	_ =	shalt  }
0x74: {  	_ =	shalt  }
0x75: {  	_ =	shalt  }
0x76: {  	_ =	shalt  }
0x77: {  	_ =	shalt  }
0x78: {  	_ =	shalt  }
0x79: {  	_ =	shalt  }
0x7a: {  	_ =	shalt  }
0x7b: {  	_ =	shalt  }
0x7c: {  	_ =	shalt  }
0x7d: {  	_ =	shalt  }
0x7e: {  	_ =	shalt  }
0x7f: {  	_ =	shalt  }
0x80: {  	_ =	shalt  }
0x81: {  	_ =	shalt  }
0x82: {  	_ =	shalt  }
0x83: {  	_ =	shalt  }
0x84: {  	_ =	shalt  }
0x85: {  	_ =	shalt  }
0x86: {  	_ =	shalt  }
0x87: {  	_ =	shalt  }
.Lfunc_end0:
.L_simem_size_0:
called_computation.1_lowered:
.L_overlay_start_0:
0x88: {  	s2 =	sld [smem:$0x3FD9]  }
0x89: {  	s3 =	sld [smem:$0x3FFE];
	_ =	sdelay $0x1  }
0x8a: {  	s1 =	srdreg.scid  }
0x8b: {  	s0 =	sand.u32 $0x1, s1  }
0x8c: {  	s17 =	sshll.u32 s0, $0xA;
	s2 =	sadd.s32 s3, s2  }
0x8d: {  	s2 =	sadd.s32 s2, s17  }
0x8e: {  	[smem:$0x3FC4] =	sst s2  }
0x8f: {  	_ = 	snop  }
0x90: {  	s2 =	sld [smem:$0x3FC9]  }
0x91: {  	s18 =	sld [smem:$0x3FD0];
	(tm) =	ssettm $0x1  }
0x92: {  	s4 =	sld [smem:$0x3FFB];
	_ =	sdelay $0x3  }
0x93: {  	_ =	strace s4  }
0x94: {  	s4 =	sld [smem:$0x3FFC];
	_ =	sdelay $0x3  }
0x95: {  	_ =	strace s4  }
0x96: {  	s4 =	sld [smem:$0x3FFD];
	_ =	sdelay $0x3  }
0x97: {  	_ =	strace s4  }
0x98: {  	_ =	strace $0x8FFFFFFF  }
0x99: {  	s19 =	sld [smem:$0x3FDB];
	_ =	sdelay $0x1  }
0x9a: {  	s5 =	simm.s32 $_scs_section_size  }
0x9b: {  	s6 =	simm.s32 $_size__tile_overlayer_lowered;
	s7 =	simm.s32 $_tile_overlayer_lowered  }
0x9c: {  	s22 =	simm.s32 $0x1BFF;
	s21 =	sshll.u32 s7, $0x1;
	s4 =	sadd.s32 s5, s19  }
0x9d: {  	s8 =	simm.s32 $0x0;
	s20 =	sshll.u32 s6, $0x1;
	s6 =	sadd.s32 s21, s4  }
0x9e: {  	[timem:s8], [sflag:s22] =	dma.local [hbm:s6], s20  }
0x9f: {  	_ =	swait.ge [sflag:s22], s20  }
0xa0: {  	s5 =	ssub.s32 $0x0, s20;
	[sflag:s22] =	ssyncset.done $0x0  }
0xa1: {  	[sflag:s22] =	ssyncadd.s32 s5;
	_ =	sdelay $0x1  }
0xa2: {  	s23 =	simm.s32 $0x1B8B  }
0xa3: {  	_ =	swait.ge [sflag:s23], $0x1  }
0xa4: {  	[sflag:s23] =	ssyncset.done $0x0  }
0xa5: {  	s25 =	simm.s32 $0x1B8E;
	s24 =	sld [smem:$0x3FFE];
	[sflag:s23] =	ssyncadd.s32 $0xFFFFFFFF  }
0xa6: {  	s26 =	simm.s32 $execute0_lowered;
	[smem:$0x3FD2] =	sst s25  }
0xa7: {  	s6 =	sshll.u32 s26, $0x1;
	_ =	strace $0x80000049;
	[dreg:$0x1] =	wrdreg $0xFFFFFFFF  }
0xa8: {  	s28 =	simm.s32 $_size_execute0_lowered;
	s4 =	sadd.s32 s4, s6;
	[dreg:$0x0] =	wrdreg $0x0  }
0xa9: {  	s6 =	sshll.u32 s28, $0x1;
	[dreg:$0x2] =	wrdreg s4  }
0xaa: {  	[dreg:$0x3] =	wrdreg s6  }
0xab: {  	[dreg:$0x4] =	wrdreg $0xC0  }
0xac: {  	_ =	task [dreg:s8], $0x5FFFF  }
0xad: {  	[dreg:$0x1] =	wrdreg $0xFFFFFFFF  }
0xae: {  	[dreg:$0x0] =	wrdreg $0x60  }
0xaf: {  	[dreg:$0x2] =	wrdreg s18  }
0xb0: {  	[dreg:$0x3] =	wrdreg s2  }
0xb1: {  	[dreg:$0x4] =	wrdreg s24  }
0xb2: {  	[dreg:$0x5] =	wrdreg $0x9  }
0xb3: {  	_ =	task.clear_ibuf [dreg:s8], $0x6FFFF;
	_ =	strace $0x90000049  }
0xb4: {  	s29 =	simm.s32 $0x9;
	_ =	strace $0x8000004B  }
0xb5: {  	_ =	swait.ge [sflag:s29], $0x1  }
0xb6: {  	[sflag:s29] =	ssyncadd.s32 $0xFFFFFFFF  }
0xb7: {  	_ =	strace $0x9000004B  }
0xb8: {  	_ =	sfence  }
0xb9: {  	s30 =	sld [smem:$0x0];
	_ =	sdelay $0x2  }
0xba: {  	s31 =	sshll.u32 s1, $0xD;
	s1 =	sshrl.u32 s1, $0x2  }
0xbb: {  	s3 =	sand.u32 $0x4000, s31;
	s1 =	sadd.s32 s1, s30  }
0xbc: {  	s0 =	sor.u32 s3, s0;
	s1 =	sshll.u32 s1, $0x11  }
0xbd: {  	s0 =	sor.u32 s1, s0  }
0xbe: {  	s0 =	sadd.s32 $0x8F2B, s0  }
0xbf: {  	[sflag:s0] =	ssyncadd.remote.s32 $0x1  }
0xc0: {  	_ =	sfence.sel $0xFFFF  }
0xc1: {  	[dreg:$0x0] =	wrdreg $0xFFFFFFFF;
	(pc) =	sbr.abs _section_cstart, $3  }
0xc2: {  	[dreg:$0x1] =	wrdreg $0xFFFFFFFF  }
0xc3: {  	_ =	task.clear_ibuf [dreg:s8], $0x2FFFF;
	_ =	strace $0x9FFFFFFF  }
0xc4: {  	(tm) =	ssettm $0x7FFFFFFF  }
0xc5: {  	_ =	shalt  }
tec
execute0_lowered:
.L_overlay_start_1:
0x0: {  	(tag) =	ssettag $0x1  }
0x1: {  	s1 =	rddreg [dreg:$0x0]  }
0x2: {  	s3 =	rddreg [dreg:$0x1];
	s2 =	srdreg.scid  }
0x3: {  	s0 =	stileid.u32;
	s5 =	rddreg [dreg:$0x2]  }
0x4: {  	s4 =	simm.s32 $0x0;
	s10 =	simm.s32 $0x8480;
	s11 =	simm.s32 $0x8C80  }
0x5: {  	s12 =	simm.s32 $0x3;
	s6 =	sand.u32 $0x1, s2;
	s2 =	rddreg [dreg:$0x3]  }
0x6: {  	s13 =	simm.s32 $0x0;
	s7 =	sshll.u32 s0, $0x1;
	[smem:$0x7FF] =	sst s4  }
.Ltmp0:
0x7: {  	s7 =	sor.u32 s6, s7;
	s6 =	ssub.s32 $0x2, s6;
	(pc) =	sbr.rel .LBB2_1-.Ltmp0, $4  }
0x8: {  	_ =	strace $0x8000004A;
	s8 =	smul.u32 $0x1080, s7;
	s9 =	sshrl.u32 s6, $0x1  }
0x9: {  	v2 =	vlaneseq.u32;
	s7 =	sshll.u32 s7, $0x4;
	s31 =	ssub.s32 s6, s9;
	s9 =	simm.s32 $0x5  }
0xa: {  	vm0 =	vmmov $0xffff;
	v1 =	vshrl.u32 v2, $0x3;
	s8 =	sadd.s32 s8, s5;
	s5 =	sadd.s32 s7, s5;
	s7 =	smax.u32 s31, $0x1  }
0xb: {  	v0 =	vand.u32 $0x7, v2;
	v2 =	vor.u32 $0x8, v2;
	v1 =	vmul.u32 $0x8, v1;
	s5 =	sadd.s32 $0x41E00, s5;
	s6 =	sadd.s32 $0x20E00, s8;
	s8 =	simm.s32 $0x8400  }
.LBB2_4:
0xc: {  	s18 =	simm.s32 @!p0 $0x100  }
.LBB2_9:
0xd: {  	_ =	sdelay $0x3  }
0xe: {  	[hbm4b:s1+s4] =	stream.indirect_vreg.scatter @p1 [tilespmem:s22], [sflag:s21], $0x80, v4, vm0, $0xb8;
	[tilespmem:$0xA480] =	vst v63  }
0xf: {  	s16 =	sor.u32 @p1 $0x8C80, s20;
	s22 =	sadd.s32 $0x3, s17  }
0x10: {  	[hbm4b:s1+s4] =	stream.indirect_vreg.scatter @p1 [tilespmem:s16], [sflag:s21], $0x80, v3, vm0, $0xb8;
	[tilespmem:$0xA480] =	vst v63  }
0x11: {  	_ =	swait.ge [sflag:s22], $0x1000  }
0x12: {  	s16 =	sadd.s32 @p1 $0x80, s18;
	[sflag:s22] =	ssyncset.done $0x0  }
0x13: {  	s15 =	smov.u32 @p1 s16;
	[sflag:s22] =	ssyncadd.s32 $0xFFFFF000  }
0x14: {  	v3 =	vld [tilespmem:s15+$0x0];
	_ =	sdelay $0x4  }
0x15: {  	v62 =	vshll.u32 v3, $0x1  }
0x16: {  	v3 =	vand.u32 $0x7, v3;
	v4 =	vand.u32 $0xFFFFFFF0, v62  }
0x17: {  	v3 =	vor.u32 v3, v4  }
0x18: {  	v4 =	vperm.xlane v3, v0;
	_ =	sdelay $0x1  }
0x19: {  	v3 =	vperm.xlane v3, v2;
	v4 =	vadd.s32 v1, v4;
	_ =	sdelay $0x1  }
0x1a: {  	v3 =	vadd.s32 v1, v3  }
0x1b: {  	s23 =	sshll.u32 s17, $0xC;
	s24 =	sadd.s32 $0xFFFFFFFF, s19  }
0x1c: {  	s26 =	sadd.s32 $0x1, s17;
	s25 =	sor.u32 $0x8480, s23;
	s18 =	sand.u32 $0x1, s24  }
0x1d: {  	[tilespmem:s25], [sflag:s26] =	stream.indirect_vreg.gather [hbm4b:s3+s4], $0x80, v4, vm0, $0xb8;
	[tilespmem:$0xA480] =	vst v63  }
0x1e: {  	s16 =	sor.u32 $0x8C80, s23;
	s28 =	sadd.s32 $0x1, s18  }
0x1f: {  	[tilespmem:s16], [sflag:s26] =	stream.indirect_vreg.gather [hbm4b:s3+s4], $0x80, v3, vm0, $0xb8;
	[tilespmem:$0xA480] =	vst v63  }
0x20: {  	_ =	swait.ge [sflag:s28], $0x1000  }
0x21: {  	[sflag:s28] =	ssyncset.done $0x0  }
0x22: {  	[sflag:s28] =	ssyncadd.s32 $0xFFFFF000  }
0x23: {  	v3 =	vld [tilespmem:s15+$0xFFFFFF80];
	_ =	sdelay $0x4  }
0x24: {  	v63 =	vshll.u32 v3, $0x1  }
0x25: {  	v3 =	vand.u32 $0x7, v3;
	v4 =	vand.u32 $0xFFFFFFF0, v63  }
0x26: {  	v3 =	vor.u32 v3, v4  }
0x27: {  	v4 =	vperm.xlane v3, v0;
	_ =	sdelay $0x1  }
0x28: {  	v3 =	vperm.xlane v3, v2;
	v4 =	vadd.s32 v1, v4;
	_ =	sdelay $0x1  }
0x29: {  	v3 =	vadd.s32 v1, v3  }
0x2a: {  	s29 =	sshll.u32 s18, $0xC  }
0x2b: {  	s31 =	sadd.s32 $0x3, s18;
	s30 =	sor.u32 $0x8480, s29  }
0x2c: {  	[hbm4b:s1+s4] =	stream.indirect_vreg.scatter [tilespmem:s30], [sflag:s31], $0x80, v4, vm0, $0xb8;
	[tilespmem:$0xA480] =	vst v63  }
0x2d: {  	s15 =	sor.u32 $0x8C80, s29  }
0x2e: {  	[hbm4b:s1+s4] =	stream.indirect_vreg.scatter [tilespmem:s15], [sflag:s31], $0x80, v3, vm0, $0xb8;
	[tilespmem:$0xA480] =	vst v63  }
.LBB2_10:
0x2f: {  	s14 =	sadd.s32 $0x7FFFFFFF, s14  }
0x30: {  	s15 =	sand.u32 $0x1, s14  }
0x31: {  	s16 =	sadd.s32 $0x1, s15  }
0x32: {  	_ =	swait.ge [sflag:s16], $0x1000  }
0x33: {  	s14 =	sshll.u32 s14, $0x9;
	[sflag:s16] =	ssyncset.done $0x0  }
0x34: {  	s14 =	sshra.s32 s14, $0x2;
	[sflag:s16] =	ssyncadd.s32 $0xFFFFF000  }
0x35: {  	v3 =	vld [tilespmem:s14+$0x0];
	_ =	sdelay $0x4  }
0x36: {  	v4 =	vshll.u32 v3, $0x1  }
0x37: {  	v3 =	vand.u32 $0x7, v3;
	v4 =	vand.u32 $0xFFFFFFF0, v4  }
0x38: {  	v3 =	vor.u32 v3, v4  }
0x39: {  	v4 =	vperm.xlane v3, v0;
	_ =	sdelay $0x1  }
0x3a: {  	v3 =	vperm.xlane v3, v2;
	v4 =	vadd.s32 v1, v4;
	_ =	sdelay $0x1  }
0x3b: {  	v3 =	vadd.s32 v1, v3  }
0x3c: {  	s30 =	sshll.u32 s15, $0xC  }
0x3d: {  	s15 =	sadd.s32 $0x3, s15;
	s31 =	sor.u32 $0x8480, s30  }
0x3e: {  	[hbm4b:s1+s4] =	stream.indirect_vreg.scatter [tilespmem:s31], [sflag:s15], $0x80, v4, vm0, $0xb8;
	[tilespmem:$0xA480] =	vst v63  }
0x3f: {  	s14 =	sor.u32 $0x8C80, s30  }
0x40: {  	[hbm4b:s1+s4] =	stream.indirect_vreg.scatter [tilespmem:s14], [sflag:s15], $0x80, v3, vm0, $0xb8;
	[tilespmem:$0xA480] =	vst v63  }
0x41: {  	_ =	swait.ge [sflag:s12], $0x1000  }
0x42: {  	[sflag:s12] =	ssyncset.done $0x0  }
0x43: {  	s14 =	simm.s32 @!p0 $0x4;
	[sflag:s12] =	ssyncadd.s32 $0xFFFFF000  }
0x44: {  	_ =	swait.ge @!p0 [sflag:s14], $0x1000  }
0x45: {  	[sflag:s14] =	ssyncset.done @!p0 $0x0  }
0x46: {  	[sflag:s14] =	ssyncadd.s32 @!p0 $0xFFFFF000  }
.LBB2_11:
0x47: {  	s13 =	sadd.s32 $0x1, s13  }
0x48: {  	p0 =	sne.s32 s13, s7  }
.Ltmp1:
0x49: {  	_ = 	snop;
	(pc) =	sbr.rel @!p0 .LBB2_12-.Ltmp1, $1  }
0x4a: {  	_ =	sdelay $0x3  }
.LBB2_1:
0x4b: {  	[tilespmem:s8], [sflag:$0x5] =	stream.linear.gather [hbm4b:s5+s4], $0x80, $0x38;
	[tilespmem:$0xA480] =	vst v63  }
0x4c: {  	_ =	swait.ge [sflag:s9], $0x80  }
0x4d: {  	[sflag:s9] =	ssyncset.done $0x0  }
0x4e: {  	[sflag:s9] =	ssyncadd.s32 $0xFFFFFF80  }
0x4f: {  	v3 =	vld [tilespmem:$0x8400];
	_ =	sdelay $0x4  }
0x50: {  	v3 =	vxor.u32 $0x80000000, v3  }
0x51: {  	(xrf0) =	vmax.scan.msk.u32 $0xffff, v3;
	_ =	sdelay $0x5  }
0x52: {  	v3, _, _ =	vpop (xrf0)  }
0x53: {  	(v2sf) =	vpush v3, $0xF;
	_ =	sdelay $0xe  }
0x54: {  	s14 =	spop (v2sf)  }
0x55: {  	s15 =	sxor.u32 $0x80000000, s14  }
0x56: {  	p0 =	slt.s32 s15, $0x1  }
.Ltmp2:
0x57: {  	_ = 	snop;
	(pc) =	sbr.rel @p0 .LBB2_11-.Ltmp2, $1  }
0x58: {  	_ =	sdelay $0x3  }
0x59: {  	[tilespmem:s4], [sflag:$0x5] =	stream.linear.gather [hbm4b:s6+s4], $0x8080, $0x38;
	[tilespmem:$0xA480] =	vst v63  }
0x5a: {  	_ =	swait.ge [sflag:s9], $0x8080  }
0x5b: {  	[sflag:s9] =	ssyncset.done $0x0  }
0x5c: {  	[sflag:s9] =	ssyncadd.s32 $0xFFFF7F80  }
0x5d: {  	v3 =	vld [tilespmem:$0x0];
	_ =	sdelay $0x4  }
0x5e: {  	v4 =	vshll.u32 v3, $0x1  }
0x5f: {  	v3 =	vand.u32 $0x7, v3;
	v4 =	vand.u32 $0xFFFFFFF0, v4  }
0x60: {  	v3 =	vor.u32 v3, v4  }
0x61: {  	v4 =	vperm.xlane v3, v0;
	_ =	sdelay $0x1  }
0x62: {  	v3 =	vperm.xlane v3, v2;
	v4 =	vadd.s32 v1, v4;
	_ =	sdelay $0x1  }
0x63: {  	v3 =	vadd.s32 v1, v3;
	_ =	sdelay $0x2  }
0x64: {  	[tilespmem:s10], [sflag:$0x1] =	stream.indirect_vreg.gather [hbm4b:s3+s4], $0x80, v4, vm0, $0xb8;
	[tilespmem:$0xA480] =	vst v63  }
0x65: {  	p0 =	seq.s32 s14, $0x80000001  }
0x66: {  	[tilespmem:s11], [sflag:$0x1] =	stream.indirect_vreg.gather [hbm4b:s3+s4], $0x80, v3, vm0, $0xb8;
	[tilespmem:$0xA480] =	vst v63  }
0x67: {  	v3 =	vld @!p0 [tilespmem:$0x80];
	_ =	sdelay $0x4  }
0x68: {  	v4 =	vshll.u32 @!p0 v3, $0x1  }
0x69: {  	v5 =	vlaneseq.u32 @!p0;
	v3 =	vand.u32 @!p0 $0x7, v3;
	v4 =	vand.u32 @!p0 $0xFFFFFFF0, v4  }
0x6a: {  	v6 =	vshrl.u32 @!p0 v5, $0x3;
	v3 =	vor.u32 @!p0 v3, v4;
	v4 =	vand.u32 @!p0 $0x7, v5  }
0x6b: {  	v6 =	vmul.u32 @!p0 $0x8, v6;
	v7 =	vperm.xlane @!p0 v3, v4  }
0x6c: {  	v5 =	vor.u32 @!p0 $0x8, v5  }
0x6d: {  	v3 =	vperm.xlane @!p0 v3, v5;
	v7 =	vadd.s32 @!p0 v6, v7;
	_ =	sdelay $0x1  }
0x6e: {  	v3 =	vadd.s32 @!p0 v6, v3;
	_ =	sdelay $0x1  }
0x6f: {  	vm1 =	vmmov @!p0 $0xffff;
	s15 =	simm.s32 @!p0 $0x0;
	s16 =	simm.s32 @!p0 $0x9480  }
0x70: {  	[tilespmem:s16], [sflag:$0x2] =	stream.indirect_vreg.gather @!p0 [hbm4b:s3+s15], $0x80, v7, vm1, $0xb8;
	[tilespmem:$0xA480] =	vst v63  }
0x71: {  	s16 =	simm.s32 @!p0 $0x9C80  }
0x72: {  	[tilespmem:s16], [sflag:$0x2] =	stream.indirect_vreg.gather @!p0 [hbm4b:s3+s15], $0x80, v3, vm1, $0xb8;
	[tilespmem:$0xA480] =	vst v63  }
0x73: {  	s16 =	simm.s32 @!p0 $0x1  }
0x74: {  	_ =	swait.ge @!p0 [sflag:s16], $0x1000  }
0x75: {  	[sflag:s16] =	ssyncset.done @!p0 $0x0  }
0x76: {  	[sflag:s16] =	ssyncadd.s32 @!p0 $0xFFFFF000  }
0x77: {  	v3 =	vld @!p0 [tilespmem:$0x0];
	_ =	sdelay $0x4  }
0x78: {  	v7 =	vshll.u32 @!p0 v3, $0x1  }
0x79: {  	v3 =	vand.u32 @!p0 $0x7, v3;
	v7 =	vand.u32 @!p0 $0xFFFFFFF0, v7  }
0x7a: {  	v3 =	vor.u32 @!p0 v3, v7  }
0x7b: {  	v4 =	vperm.xlane @!p0 v3, v4;
	_ =	sdelay $0x1  }
0x7c: {  	v3 =	vperm.xlane @!p0 v3, v5;
	v4 =	vadd.s32 @!p0 v6, v4  }
0x7d: {  	p1 =	seq.s32 @!p0 s14, $0x80000002  }
0x7e: {  	p1 =	por p0, p1;
	v3 =	vadd.s32 @!p0 v6, v3  }
.Ltmp3:
0x7f: {  	_ = 	snop;
	(pc) =	sbr.rel @p1 .LBB2_10-.Ltmp3, $4  }
0x80: {  	s16 =	simm.s32 @!p0 $0x8480  }
0x81: {  	[hbm4b:s1+s15] =	stream.indirect_vreg.scatter @!p0 [tilespmem:s16], [sflag:$0x3], $0x80, v4, vm1, $0xb8;
	[tilespmem:$0xA480] =	vst v63  }
0x82: {  	s16 =	simm.s32 @!p0 $0x8C80  }
0x83: {  	[hbm4b:s1+s15] =	stream.indirect_vreg.scatter @!p0 [tilespmem:s16], [sflag:$0x3], $0x80, v3, vm1, $0xb8;
	[tilespmem:$0xA480] =	vst v63  }
0x84: {  	p2 =	sne.s32 s14, $0x80000003  }
.Ltmp4:
0x85: {  	_ = 	snop;
	(pc) =	sbr.rel @!p2 .LBB2_4-.Ltmp4, $3  }
0x86: {  	_ =	sdelay $0x1  }
0x87: {  	s19 =	simm.s32 @!p0 $0x80000002;
	s15 =	simm.s32 @!p0 $0x100;
	s17 =	simm.s32 $0x2  }
0x88: {  	s16 =	simm.s32 $0x80000003;
	p1 =	por $0x0, $0x0;
	s17 =	sand.u32 $0x1, s17  }
0x89: {  	s18 =	sadd.s32 $0x3, s17  }
0x8a: {  	_ =	swait.ge [sflag:s18], $0x1000  }
0x8b: {  	[sflag:s18] =	ssyncset.done $0x0  }
0x8c: {  	[sflag:s18] =	ssyncadd.s32 $0xFFFFF000  }
0x8d: {  	v3 =	vld [tilespmem:s15+$0x0];
	_ =	sdelay $0x4  }
0x8e: {  	v4 =	vshll.u32 v3, $0x1  }
0x8f: {  	v3 =	vand.u32 $0x7, v3;
	v4 =	vand.u32 $0xFFFFFFF0, v4  }
0x90: {  	v3 =	vor.u32 v3, v4  }
0x91: {  	v4 =	vperm.xlane v3, v0;
	_ =	sdelay $0x1  }
0x92: {  	v3 =	vperm.xlane v3, v2;
	v4 =	vadd.s32 v1, v4;
	_ =	sdelay $0x1  }
0x93: {  	v3 =	vadd.s32 v1, v3  }
0x94: {  	s29 =	sshll.u32 s17, $0xC;
	s19 =	simm.s32 $0x80000001  }
0x95: {  	s30 =	sadd.s32 $0x1, s17;
	s20 =	sor.u32 $0x8480, s29;
	s21 =	sand.u32 $0x1, s19  }
0x96: {  	[tilespmem:s20], [sflag:s30] =	stream.indirect_vreg.gather [hbm4b:s3+s4], $0x80, v4, vm0, $0xb8;
	[tilespmem:$0xA480] =	vst v63  }
0x97: {  	s19 =	sadd.s32 $0x1, s21;
	s18 =	sor.u32 $0x8C80, s29  }
0x98: {  	[tilespmem:s18], [sflag:s30] =	stream.indirect_vreg.gather [hbm4b:s3+s4], $0x80, v3, vm0, $0xb8;
	[tilespmem:$0xA480] =	vst v63  }
0x99: {  	_ =	swait.ge [sflag:s19], $0x1000  }
0x9a: {  	[sflag:s19] =	ssyncset.done $0x0  }
0x9b: {  	[sflag:s19] =	ssyncadd.s32 $0xFFFFF000  }
0x9c: {  	v3 =	vld [tilespmem:s15+$0xFFFFFF80];
	_ =	sdelay $0x4  }
0x9d: {  	v4 =	vshll.u32 v3, $0x1  }
0x9e: {  	v3 =	vand.u32 $0x7, v3;
	v4 =	vand.u32 $0xFFFFFFF0, v4  }
0x9f: {  	p2 =	sne.s32 s14, $0x80000004;
	v3 =	vor.u32 v3, v4  }
.Ltmp5:
0xa0: {  	v4 =	vperm.xlane v3, v0;
	(pc) =	sbr.rel @!p2 .LBB2_6-.Ltmp5, $4  }
0xa1: {  	_ = 	snop  }
0xa2: {  	s31 =	simm.s32 $0x3;
	p1 =	por $0x1, $0x1;
	v3 =	vperm.xlane v3, v2;
	v4 =	vadd.s32 v1, v4  }
0xa3: {  	s17 =	sand.u32 $0x1, s31;
	s20 =	sshll.u32 s21, $0xC;
	s21 =	sadd.s32 $0x3, s21  }
0xa4: {  	s22 =	sor.u32 $0x8480, s20;
	s18 =	simm.s32 @!p0 $0x100;
	s19 =	simm.s32 $0x80000004;
	v3 =	vadd.s32 v1, v3  }
.LBB2_7:
0xa5: {  	s20 =	sor.u32 $0x8C80, s20  }
0xa6: {  	s18 =	sadd.s32 $0x80, s18;
	s23 =	smov.u32 s19;
	s19 =	sadd.s32 $0x1, s19  }
0xa7: {  	[hbm4b:s1+s4] =	stream.indirect_vreg.scatter [tilespmem:s22], [sflag:s21], $0x80, v4, vm0, $0xb8;
	[tilespmem:$0xA480] =	vst v63  }
0xa8: {  	p2 =	sne.s32 s14, s19;
	s22 =	sadd.s32 $0x3, s17  }
0xa9: {  	[hbm4b:s1+s4] =	stream.indirect_vreg.scatter [tilespmem:s20], [sflag:s21], $0x80, v3, vm0, $0xb8;
	[tilespmem:$0xA480] =	vst v63  }
0xaa: {  	_ =	swait.ge [sflag:s22], $0x1000  }
0xab: {  	[sflag:s22] =	ssyncset.done $0x0  }
0xac: {  	[sflag:s22] =	ssyncadd.s32 $0xFFFFF000  }
0xad: {  	v3 =	vld [tilespmem:s18+$0x0];
	_ =	sdelay $0x4  }
0xae: {  	v4 =	vshll.u32 v3, $0x1  }
0xaf: {  	v3 =	vand.u32 $0x7, v3;
	v4 =	vand.u32 $0xFFFFFFF0, v4  }
0xb0: {  	v3 =	vor.u32 v3, v4  }
0xb1: {  	v4 =	vperm.xlane v3, v0;
	v3 =	vperm.xlane v3, v2;
	_ =	sdelay $0x1  }
0xb2: {  	v4 =	vadd.s32 v1, v4;
	v3 =	vadd.s32 v1, v3;
	_ =	sdelay $0x1  }
0xb3: {  	s20 =	sshll.u32 s17, $0xC  }
0xb4: {  	s16 =	sadd.s32 $0xFFFFFFFF, s16;
	s17 =	sadd.s32 $0x1, s17;
	s21 =	sor.u32 $0x8480, s20  }
0xb5: {  	s24 =	sand.u32 $0x1, s16;
	s16 =	smov.u32 s23  }
0xb6: {  	[tilespmem:s21], [sflag:s17] =	stream.indirect_vreg.gather [hbm4b:s3+s4], $0x80, v4, vm0, $0xb8;
	[tilespmem:$0xA480] =	vst v63  }
0xb7: {  	s22 =	sadd.s32 $0x1, s24;
	s21 =	sor.u32 $0x8C80, s20;
	s20 =	sshll.u32 s24, $0xC  }
0xb8: {  	[tilespmem:s21], [sflag:s17] =	stream.indirect_vreg.gather [hbm4b:s3+s4], $0x80, v3, vm0, $0xb8;
	[tilespmem:$0xA480] =	vst v63  }
0xb9: {  	_ =	swait.ge [sflag:s22], $0x1000  }
0xba: {  	[sflag:s22] =	ssyncset.done $0x0  }
0xbb: {  	[sflag:s22] =	ssyncadd.s32 $0xFFFFF000  }
0xbc: {  	v3 =	vld [tilespmem:s18+$0xFFFFFF80];
	_ =	sdelay $0x4  }
0xbd: {  	v4 =	vand.u32 $0x7, v3;
	v3 =	vshll.u32 v3, $0x1  }
0xbe: {  	v3 =	vand.u32 $0xFFFFFFF0, v3  }
0xbf: {  	v3 =	vor.u32 v4, v3  }
0xc0: {  	v4 =	vperm.xlane v3, v0;
	v3 =	vperm.xlane v3, v2  }
.Ltmp6:
0xc1: {  	(pc) =	sbr.rel @p2 .LBB2_7-.Ltmp6, $4  }
0xc2: {  	v4 =	vadd.s32 v1, v4  }
0xc3: {  	v3 =	vadd.s32 v1, v3  }
0xc4: {  	s17 =	sadd.s32 $0x80000000, s16  }
0xc5: {  	s21 =	sadd.s32 $0x3, s24;
	s17 =	sand.u32 $0x1, s17;
	s22 =	sor.u32 $0x8480, s20  }
.Ltmp7:
0xc6: {  	(pc) =	sbr.rel .LBB2_9-.Ltmp7, $2  }
0xc7: {  	_ =	sdelay $0x2  }
0xc8: {  	s19 =	smov.u32 s16  }
.LBB2_6:
.Ltmp8:
0xc9: {  	(pc) =	sbr.rel .LBB2_9-.Ltmp8, $2  }
0xca: {  	_ =	sdelay $0x2  }
0xcb: {  	s18 =	simm.s32 @!p0 $0x100;
	s19 =	simm.s32 $0x80000003  }
.LBB2_12:
0xcc: {  	_ =	sfence.sel $0x180000  }
0xcd: {  	[bflag:$0x0] =	sbarrier.arrive $0xFFFF  }
0xce: {  	p0 =	sne.s32 s0, $0x0;
	_ =	strace $0x9000004A  }
0xcf: {  	s0 =	sadd.s32 @!p0 $0x100000, s2;
	[bflag:$0x2] =	sbarrier.arrive $0xFFFF  }
0xd0: {  	[sflag:s0] =	ssyncadd.tile.s32 @!p0 $0x1;
	_ =	shalt  }
.Lfunc_end2:
_tile_overlayer_lowered:
.L_overlay_start_2:
0xd1: {  	(tag) =	ssettag $0x2  }
0xd2: {  	s0 =	rddreg [dreg:$0x0];
	s2 =	stileid.u32  }
0xd3: {  	s1 =	rddreg [dreg:$0x1];
	p0 =	sne.s32 s2, $0x0  }
0xd4: {  	s3 =	rddreg [dreg:$0x2];
	[bflag:$0x3] =	sbarrier.arrive $0xFFFF;
	s2 =	simm.s32 @!p0 $0x1C05  }
0xd5: {  	[timem:s3], [sflag:s2] =	dma.local @!p0 [hbm:s0], s1  }
0xd6: {  	s0 =	simm.s32 @!p0 $0x5  }
0xd7: {  	_ =	swait.ge @!p0 [sflag:s0], s1  }
0xd8: {  	s1 =	ssub.s32 @!p0 $0x0, s1;
	[sflag:s0] =	ssyncset.done @!p0 $0x0  }
0xd9: {  	[sflag:s0] =	ssyncadd.s32 @!p0 s1  }
0xda: {  	[bflag:$0x3] =	sbarrier.arrive $0xFFFF  }
0xdb: {  	_ =	shalt  }

</sc_bundles>
